<compile_context>
chip_gen: v7x
topology: tpu7x:2x2x1
jax: 0.10.2.dev20260603
libtpu: 0.0.44.dev20260713+nightly
codegen_flags: <defaults>
</compile_context>

<pallas_src>
import functools

import jax
import jax.numpy as jnp
from jax import lax
from jax.experimental import pallas as pl
from jax.experimental.pallas import tpu as pltpu
from jax.experimental.pallas import tpu_sc as plsc

EMB_D = 64
NUM_K = 1024
BPB = 4
HW = 1024
ROWS = BPB * HW
N_PTS = 16 * HW
LANES = 16
UNROLL = 8


def _vq_tc_block(x_ref, e_ref, idx_ref, loss_ref):
    i = pl.program_id(0)

    xc = x_ref[...]
    xt = jnp.transpose(xc, (0, 2, 1)).reshape(ROWS, EMB_D)

    e = e_ref[...]
    e2 = e * (-2.0)
    esq = jnp.sum(e * e, axis=0, keepdims=True)

    xsq = jnp.sum(xt * xt, axis=1, keepdims=True)
    ip2 = jnp.dot(xt, e2, preferred_element_type=jnp.float32)
    d = xsq + ip2 + esq

    dmin = jnp.min(d, axis=1, keepdims=True)
    kiota = lax.broadcasted_iota(jnp.int32, (ROWS, NUM_K), 1)
    idx = jnp.min(jnp.where(d == dmin, kiota, NUM_K), axis=1)

    idx_ref[...] = idx.reshape(BPB, 1, HW)

    partial = jnp.sum(dmin)

    @pl.when(i == 0)
    def _():
        loss_ref[0, 0] = 0.0

    loss_ref[0, 0] += partial


def _vq_sc_gather(e_hbm, idx_hbm, out_hbm, tab0_v, tab1_v, idx_v,
                  out0_v, out1_v, sem):
    wid = lax.axis_index("s") * 2 + lax.axis_index("c")
    c0 = wid * 2

    pltpu.sync_copy(e_hbm.at[c0], tab0_v)
    pltpu.sync_copy(e_hbm.at[c0 + 1], tab1_v)
    pltpu.sync_copy(idx_hbm, idx_v)

    def body(j, carry):
        for u in range(UNROLL):
            s = j * (LANES * UNROLL) + u * LANES
            idxv = idx_v[pl.ds(s, LANES)]
            out0_v[pl.ds(s, LANES)] = plsc.load_gather(tab0_v, [idxv])
            out1_v[pl.ds(s, LANES)] = plsc.load_gather(tab1_v, [idxv])
        return carry

    lax.fori_loop(0, N_PTS // (LANES * UNROLL), body, 0)

    copies = []
    for b in range(16):
        copies.append(pltpu.async_copy(
            out0_v.at[pl.ds(b * HW, HW)], out_hbm.at[b, c0], sem))
        copies.append(pltpu.async_copy(
            out1_v.at[pl.ds(b * HW, HW)], out_hbm.at[b, c0 + 1], sem))
    for c in copies:
        c.wait()


def kernel(x, e_i_ts):
    B, C, H, W = x.shape
    n = B * H * W

    xr = x.reshape(B, C, H * W)

    idx3, loss_acc = pl.pallas_call(
        _vq_tc_block,
        grid=(B // BPB,),
        in_specs=[
            pl.BlockSpec((BPB, C, HW), lambda i: (i, 0, 0)),
            pl.BlockSpec((C, NUM_K), lambda i: (0, 0)),
        ],
        out_specs=[
            pl.BlockSpec((BPB, 1, HW), lambda i: (i, 0, 0)),
            pl.BlockSpec((1, 1), lambda i: (0, 0), memory_space=pltpu.SMEM),
        ],
        out_shape=[
            jax.ShapeDtypeStruct((B, 1, HW), jnp.int32),
            jax.ShapeDtypeStruct((1, 1), jnp.float32),
        ],
    )(xr, e_i_ts)

    idx_flat = idx3.reshape(n)

    sc_gather = functools.partial(
        pl.kernel,
        mesh=plsc.VectorSubcoreMesh(core_axis_name="c", subcore_axis_name="s"),
        out_type=jax.ShapeDtypeStruct((B, C, H * W), jnp.float32),
        scratch_types=[
            pltpu.VMEM((NUM_K,), jnp.float32),
            pltpu.VMEM((NUM_K,), jnp.float32),
            pltpu.VMEM((N_PTS,), jnp.int32),
            pltpu.VMEM((N_PTS,), jnp.float32),
            pltpu.VMEM((N_PTS,), jnp.float32),
            pltpu.SemaphoreType.DMA,
        ],
        compiler_params=pltpu.CompilerParams(needs_layout_passes=False),
    )(_vq_sc_gather)

    q_cm = sc_gather(e_i_ts, idx_flat)

    quantized_x_st = q_cm.reshape(B, C, H, W)
    loss = loss_acc[0, 0] / jnp.float32(n * C)
    encoding_indices = idx3.reshape(B, H * W)
    return (quantized_x_st, loss, loss, encoding_indices)

# --- scband reference (transcript-rebuilt; emitter-appended) ---
"""Pipeline reference for scband-vector-quantizer-1168231104757 (READ-ONLY COPY).

The authoritative reference and input builder live on the scoring server;
editing this copy changes nothing except your own understanding.
"""

import jax, jax.numpy as jnp
import numpy as np

EMBEDDING_DIM = 64
NUM_EMBEDDINGS = 1024

def setup_inputs(seed: int = 0) -> dict:
    key = jax.random.key(seed)
    k1, k2 = jax.random.split(key)
    x = jax.random.normal(k1, (16, 64, 32, 32), dtype=jnp.float32)
    limit = 3 ** 0.5
    e_i_ts = jax.random.uniform(k2, (EMBEDDING_DIM, NUM_EMBEDDINGS), dtype=jnp.float32, minval=-limit, maxval=limit)
    return {"x": x, "e_i_ts": e_i_ts}

def reference(x, e_i_ts):
    B, C, H, W = x.shape
    flat_x = jnp.transpose(x, (0, 2, 3, 1)).reshape(-1, C)
    flat_x_squared = jnp.sum(flat_x ** 2, axis=1, keepdims=True)
    inner_product = flat_x @ e_i_ts
    e_i_ts_squared = jnp.sum(e_i_ts ** 2, axis=0, keepdims=True)
    distances = flat_x_squared - 2.0 * inner_product + e_i_ts_squared
    encoding_indices = jnp.argmin(distances, axis=1)
    reshaped_indices = encoding_indices.reshape(B, H, W)
    # embedding lookup: gather rows of e_i_ts.T
    quantized_intermediate = jnp.take(e_i_ts.T, reshaped_indices, axis=0)
    quantized_x = jnp.transpose(quantized_intermediate, (0, 3, 1, 2))
    dictionary_loss = jnp.mean((jax.lax.stop_gradient(x) - quantized_x) ** 2)
    commitment_loss = jnp.mean((x - jax.lax.stop_gradient(quantized_x)) ** 2)
    quantized_x_st = x + jax.lax.stop_gradient(quantized_x - x)
    return (quantized_x_st, dictionary_loss, commitment_loss, encoding_indices.reshape(B, -1))

if __name__ == "__main__":
    import jax
    _d = setup_inputs()
    print(jax.jit(kernel)(*tuple(_d.values())))

</pallas_src>

<mosaic_0001>
#map = affine_map<(d0, d1) -> (0, 0)>
#map1 = affine_map<(d0, d1) -> (0)>
#map2 = affine_map<(d0, d1) -> (0, 0, 0)>
module attributes {stable_mosaic.version = 14 : i64} {
  func.func @_vq_sc_gather(%arg0: i32, %arg1: i32, %arg2: memref<64x1024xf32, #tpu.memory_space<hbm>>, %arg3: memref<16384xi32, #tpu.memory_space<hbm>>, %arg4: memref<16x64x1024xf32, #tpu.memory_space<hbm>>, %arg5: memref<1024xf32, #tpu.memory_space<vmem>>, %arg6: memref<1024xf32, #tpu.memory_space<vmem>>, %arg7: memref<16384xi32, #tpu.memory_space<vmem>>, %arg8: memref<16384xf32, #tpu.memory_space<vmem>>, %arg9: memref<16384xf32, #tpu.memory_space<vmem>>, %arg10: memref<!tpu.dma_semaphore, #tpu.memory_space<semaphore_mem>>) attributes {dimension_semantics = [#tpu.dimension_semantics<core_parallel>, #tpu.dimension_semantics<subcore_parallel>], iteration_bounds = array<i64: 2, 16>, scalar_prefetch = 0 : i64, scratch_operands = 6 : i64, tpu.core_type = #tpu.core_type<sc_vector_subcore>, window_params = [{transform_indices = #map}, {transform_indices = #map1}, {transform_indices = #map2}]} {
    %mul3A = arith.constant 2 : i32
    %mul3A_0 = arith.muli %arg1, %mul3A : i32
    %add3A = arith.addi %mul3A_0, %arg0 : i32
    %mul3A_1 = arith.constant 2 : i32
    %mul3A_2 = arith.muli %add3A, %mul3A_1 : i32
    "tpu.region"() ({
      %run_scoped3A = tpu.sem_alloc : memref<!tpu.dma_semaphore, #tpu.memory_space<semaphore_mem>>
      %dma_start3A_744 = arith.constant 0 : i32
      %dma_start3A_745 = tpu.memref_slice %arg2[%mul3A_2, %dma_start3A_744] : memref<64x1024xf32, #tpu.memory_space<hbm>> -> memref<1x1024xf32, #tpu.memory_space<hbm>>
      %dma_start3A_746 = tpu.memref_squeeze %dma_start3A_745 : memref<1x1024xf32, #tpu.memory_space<hbm>> -> memref<1024xf32, #tpu.memory_space<hbm>>
      %dma_start3A_747 = arith.constant 0 : i32
      %dma_start3A_748 = tpu.memref_slice %arg2[%mul3A_2, %dma_start3A_747] : memref<64x1024xf32, #tpu.memory_space<hbm>> -> memref<1x1024xf32, #tpu.memory_space<hbm>>
      %dma_start3A_749 = tpu.memref_squeeze %dma_start3A_748 : memref<1x1024xf32, #tpu.memory_space<hbm>> -> memref<1024xf32, #tpu.memory_space<hbm>>
      tpu.enqueue_dma source(%dma_start3A_749 : memref<1024xf32, #tpu.memory_space<hbm>>) target(%arg5 : memref<1024xf32, #tpu.memory_space<vmem>>) target_semaphore(%run_scoped3A : memref<!tpu.dma_semaphore, #tpu.memory_space<semaphore_mem>>)
      %dma_wait3A_750 = arith.constant 0 : i32
      %dma_wait3A_751 = tpu.memref_slice %arg2[%mul3A_2, %dma_wait3A_750] : memref<64x1024xf32, #tpu.memory_space<hbm>> -> memref<1x1024xf32, #tpu.memory_space<hbm>>
      %dma_wait3A_752 = tpu.memref_squeeze %dma_wait3A_751 : memref<1x1024xf32, #tpu.memory_space<hbm>> -> memref<1024xf32, #tpu.memory_space<hbm>>
      %dma_wait3A_753 = arith.constant 0 : i32
      %dma_wait3A_754 = tpu.memref_slice %arg2[%mul3A_2, %dma_wait3A_753] : memref<64x1024xf32, #tpu.memory_space<hbm>> -> memref<1x1024xf32, #tpu.memory_space<hbm>>
      %dma_wait3A_755 = tpu.memref_squeeze %dma_wait3A_754 : memref<1x1024xf32, #tpu.memory_space<hbm>> -> memref<1024xf32, #tpu.memory_space<hbm>>
      tpu.wait_dma2 semaphore(%run_scoped3A : memref<!tpu.dma_semaphore, #tpu.memory_space<semaphore_mem>>) src(%dma_wait3A_755 : memref<1024xf32, #tpu.memory_space<hbm>>) dst(%arg5 : memref<1024xf32, #tpu.memory_space<vmem>>)
      tpu.yield
    }) : () -> ()
    %add3A_3 = arith.constant 1 : i32
    %add3A_4 = arith.addi %mul3A_2, %add3A_3 : i32
    "tpu.region"() ({
      %run_scoped3A = tpu.sem_alloc : memref<!tpu.dma_semaphore, #tpu.memory_space<semaphore_mem>>
      %dma_start3A_744 = arith.constant 0 : i32
      %dma_start3A_745 = tpu.memref_slice %arg2[%add3A_4, %dma_start3A_744] : memref<64x1024xf32, #tpu.memory_space<hbm>> -> memref<1x1024xf32, #tpu.memory_space<hbm>>
      %dma_start3A_746 = tpu.memref_squeeze %dma_start3A_745 : memref<1x1024xf32, #tpu.memory_space<hbm>> -> memref<1024xf32, #tpu.memory_space<hbm>>
      %dma_start3A_747 = arith.constant 0 : i32
      %dma_start3A_748 = tpu.memref_slice %arg2[%add3A_4, %dma_start3A_747] : memref<64x1024xf32, #tpu.memory_space<hbm>> -> memref<1x1024xf32, #tpu.memory_space<hbm>>
      %dma_start3A_749 = tpu.memref_squeeze %dma_start3A_748 : memref<1x1024xf32, #tpu.memory_space<hbm>> -> memref<1024xf32, #tpu.memory_space<hbm>>
      tpu.enqueue_dma source(%dma_start3A_749 : memref<1024xf32, #tpu.memory_space<hbm>>) target(%arg6 : memref<1024xf32, #tpu.memory_space<vmem>>) target_semaphore(%run_scoped3A : memref<!tpu.dma_semaphore, #tpu.memory_space<semaphore_mem>>)
      %dma_wait3A_750 = arith.constant 0 : i32
      %dma_wait3A_751 = tpu.memref_slice %arg2[%add3A_4, %dma_wait3A_750] : memref<64x1024xf32, #tpu.memory_space<hbm>> -> memref<1x1024xf32, #tpu.memory_space<hbm>>
      %dma_wait3A_752 = tpu.memref_squeeze %dma_wait3A_751 : memref<1x1024xf32, #tpu.memory_space<hbm>> -> memref<1024xf32, #tpu.memory_space<hbm>>
      %dma_wait3A_753 = arith.constant 0 : i32
      %dma_wait3A_754 = tpu.memref_slice %arg2[%add3A_4, %dma_wait3A_753] : memref<64x1024xf32, #tpu.memory_space<hbm>> -> memref<1x1024xf32, #tpu.memory_space<hbm>>
      %dma_wait3A_755 = tpu.memref_squeeze %dma_wait3A_754 : memref<1x1024xf32, #tpu.memory_space<hbm>> -> memref<1024xf32, #tpu.memory_space<hbm>>
      tpu.wait_dma2 semaphore(%run_scoped3A : memref<!tpu.dma_semaphore, #tpu.memory_space<semaphore_mem>>) src(%dma_wait3A_755 : memref<1024xf32, #tpu.memory_space<hbm>>) dst(%arg6 : memref<1024xf32, #tpu.memory_space<vmem>>)
      tpu.yield
    }) : () -> ()
    "tpu.region"() ({
      %run_scoped3A = tpu.sem_alloc : memref<!tpu.dma_semaphore, #tpu.memory_space<semaphore_mem>>
      tpu.enqueue_dma source(%arg3 : memref<16384xi32, #tpu.memory_space<hbm>>) target(%arg7 : memref<16384xi32, #tpu.memory_space<vmem>>) target_semaphore(%run_scoped3A : memref<!tpu.dma_semaphore, #tpu.memory_space<semaphore_mem>>)
      tpu.wait_dma2 semaphore(%run_scoped3A : memref<!tpu.dma_semaphore, #tpu.memory_space<semaphore_mem>>) src(%arg3 : memref<16384xi32, #tpu.memory_space<hbm>>) dst(%arg7 : memref<16384xi32, #tpu.memory_space<vmem>>)
      tpu.yield
    }) : () -> ()
    %scan3A = arith.constant 0 : i32
    %scan3A_5 = arith.constant 0 : i32
    %scan3A_6 = arith.constant 128 : i32
    %scan3A_7 = arith.addi %scan3A_5, %scan3A_6 : i32
    %scan3A_8 = arith.constant 1 : i32
    scf.for %scan3A_744 = %scan3A_5 to %scan3A_7 step %scan3A_8  : i32 {
      %mul3A_745 = arith.constant 128 : i32
      %mul3A_746 = arith.muli %scan3A_744, %mul3A_745 : i32
      %add3A_747 = arith.constant 0 : i32
      %add3A_748 = arith.addi %mul3A_746, %add3A_747 : i32
      %get3A = arith.index_cast %add3A_748 : i32 to index
      %get3A_749 = tpu.vector_load %arg7[%get3A] {strides = array<i32>} : memref<16384xi32, #tpu.memory_space<vmem>>, vector<16xi32>,
      %gather3A = tpu.vector_load_idx %arg5[%get3A_749] : memref<1024xf32, #tpu.memory_space<vmem>>[vector<16xi32>], vector<16xf32>,
      %swap3A = arith.index_cast %add3A_748 : i32 to index
      %swap3A_750 = tpu.vector_load %arg8[%swap3A] {strides = array<i32>} : memref<16384xf32, #tpu.memory_space<vmem>>, vector<16xf32>,
      tpu.vector_store %arg8[%swap3A], %gather3A {strides = array<i32>} : memref<16384xf32, #tpu.memory_space<vmem>>, vector<16xf32>,
      %gather3A_751 = tpu.vector_load_idx %arg6[%get3A_749] : memref<1024xf32, #tpu.memory_space<vmem>>[vector<16xi32>], vector<16xf32>,
      %swap3A_752 = arith.index_cast %add3A_748 : i32 to index
      %swap3A_753 = tpu.vector_load %arg9[%swap3A_752] {strides = array<i32>} : memref<16384xf32, #tpu.memory_space<vmem>>, vector<16xf32>,
      tpu.vector_store %arg9[%swap3A_752], %gather3A_751 {strides = array<i32>} : memref<16384xf32, #tpu.memory_space<vmem>>, vector<16xf32>,
      %mul3A_754 = arith.constant 128 : i32
      %mul3A_755 = arith.muli %scan3A_744, %mul3A_754 : i32
      %add3A_756 = arith.constant 16 : i32
      %add3A_757 = arith.addi %mul3A_755, %add3A_756 : i32
      %get3A_758 = arith.index_cast %add3A_757 : i32 to index
      %get3A_759 = tpu.vector_load %arg7[%get3A_758] {strides = array<i32>} : memref<16384xi32, #tpu.memory_space<vmem>>, vector<16xi32>,
      %gather3A_760 = tpu.vector_load_idx %arg5[%get3A_759] : memref<1024xf32, #tpu.memory_space<vmem>>[vector<16xi32>], vector<16xf32>,
      %swap3A_761 = arith.index_cast %add3A_757 : i32 to index
      %swap3A_762 = tpu.vector_load %arg8[%swap3A_761] {strides = array<i32>} : memref<16384xf32, #tpu.memory_space<vmem>>, vector<16xf32>,
      tpu.vector_store %arg8[%swap3A_761], %gather3A_760 {strides = array<i32>} : memref<16384xf32, #tpu.memory_space<vmem>>, vector<16xf32>,
      %gather3A_763 = tpu.vector_load_idx %arg6[%get3A_759] : memref<1024xf32, #tpu.memory_space<vmem>>[vector<16xi32>], vector<16xf32>,
      %swap3A_764 = arith.index_cast %add3A_757 : i32 to index
      %swap3A_765 = tpu.vector_load %arg9[%swap3A_764] {strides = array<i32>} : memref<16384xf32, #tpu.memory_space<vmem>>, vector<16xf32>,
      tpu.vector_store %arg9[%swap3A_764], %gather3A_763 {strides = array<i32>} : memref<16384xf32, #tpu.memory_space<vmem>>, vector<16xf32>,
      %mul3A_766 = arith.constant 128 : i32
      %mul3A_767 = arith.muli %scan3A_744, %mul3A_766 : i32
      %add3A_768 = arith.constant 32 : i32
      %add3A_769 = arith.addi %mul3A_767, %add3A_768 : i32
      %get3A_770 = arith.index_cast %add3A_769 : i32 to index
      %get3A_771 = tpu.vector_load %arg7[%get3A_770] {strides = array<i32>} : memref<16384xi32, #tpu.memory_space<vmem>>, vector<16xi32>,
      %gather3A_772 = tpu.vector_load_idx %arg5[%get3A_771] : memref<1024xf32, #tpu.memory_space<vmem>>[vector<16xi32>], vector<16xf32>,
      %swap3A_773 = arith.index_cast %add3A_769 : i32 to index
      %swap3A_774 = tpu.vector_load %arg8[%swap3A_773] {strides = array<i32>} : memref<16384xf32, #tpu.memory_space<vmem>>, vector<16xf32>,
      tpu.vector_store %arg8[%swap3A_773], %gather3A_772 {strides = array<i32>} : memref<16384xf32, #tpu.memory_space<vmem>>, vector<16xf32>,
      %gather3A_775 = tpu.vector_load_idx %arg6[%get3A_771] : memref<1024xf32, #tpu.memory_space<vmem>>[vector<16xi32>], vector<16xf32>,
      %swap3A_776 = arith.index_cast %add3A_769 : i32 to index
      %swap3A_777 = tpu.vector_load %arg9[%swap3A_776] {strides = array<i32>} : memref<16384xf32, #tpu.memory_space<vmem>>, vector<16xf32>,
      tpu.vector_store %arg9[%swap3A_776], %gather3A_775 {strides = array<i32>} : memref<16384xf32, #tpu.memory_space<vmem>>, vector<16xf32>,
      %mul3A_778 = arith.constant 128 : i32
      %mul3A_779 = arith.muli %scan3A_744, %mul3A_778 : i32
      %add3A_780 = arith.constant 48 : i32
      %add3A_781 = arith.addi %mul3A_779, %add3A_780 : i32
      %get3A_782 = arith.index_cast %add3A_781 : i32 to index
      %get3A_783 = tpu.vector_load %arg7[%get3A_782] {strides = array<i32>} : memref<16384xi32, #tpu.memory_space<vmem>>, vector<16xi32>,
      %gather3A_784 = tpu.vector_load_idx %arg5[%get3A_783] : memref<1024xf32, #tpu.memory_space<vmem>>[vector<16xi32>], vector<16xf32>,
      %swap3A_785 = arith.index_cast %add3A_781 : i32 to index
      %swap3A_786 = tpu.vector_load %arg8[%swap3A_785] {strides = array<i32>} : memref<16384xf32, #tpu.memory_space<vmem>>, vector<16xf32>,
      tpu.vector_store %arg8[%swap3A_785], %gather3A_784 {strides = array<i32>} : memref<16384xf32, #tpu.memory_space<vmem>>, vector<16xf32>,
      %gather3A_787 = tpu.vector_load_idx %arg6[%get3A_783] : memref<1024xf32, #tpu.memory_space<vmem>>[vector<16xi32>], vector<16xf32>,
      %swap3A_788 = arith.index_cast %add3A_781 : i32 to index
      %swap3A_789 = tpu.vector_load %arg9[%swap3A_788] {strides = array<i32>} : memref<16384xf32, #tpu.memory_space<vmem>>, vector<16xf32>,
      tpu.vector_store %arg9[%swap3A_788], %gather3A_787 {strides = array<i32>} : memref<16384xf32, #tpu.memory_space<vmem>>, vector<16xf32>,
      %mul3A_790 = arith.constant 128 : i32
      %mul3A_791 = arith.muli %scan3A_744, %mul3A_790 : i32
      %add3A_792 = arith.constant 64 : i32
      %add3A_793 = arith.addi %mul3A_791, %add3A_792 : i32
      %get3A_794 = arith.index_cast %add3A_793 : i32 to index
      %get3A_795 = tpu.vector_load %arg7[%get3A_794] {strides = array<i32>} : memref<16384xi32, #tpu.memory_space<vmem>>, vector<16xi32>,
      %gather3A_796 = tpu.vector_load_idx %arg5[%get3A_795] : memref<1024xf32, #tpu.memory_space<vmem>>[vector<16xi32>], vector<16xf32>,
      %swap3A_797 = arith.index_cast %add3A_793 : i32 to index
      %swap3A_798 = tpu.vector_load %arg8[%swap3A_797] {strides = array<i32>} : memref<16384xf32, #tpu.memory_space<vmem>>, vector<16xf32>,
      tpu.vector_store %arg8[%swap3A_797], %gather3A_796 {strides = array<i32>} : memref<16384xf32, #tpu.memory_space<vmem>>, vector<16xf32>,
      %gather3A_799 = tpu.vector_load_idx %arg6[%get3A_795] : memref<1024xf32, #tpu.memory_space<vmem>>[vector<16xi32>], vector<16xf32>,
      %swap3A_800 = arith.index_cast %add3A_793 : i32 to index
      %swap3A_801 = tpu.vector_load %arg9[%swap3A_800] {strides = array<i32>} : memref<16384xf32, #tpu.memory_space<vmem>>, vector<16xf32>,
      tpu.vector_store %arg9[%swap3A_800], %gather3A_799 {strides = array<i32>} : memref<16384xf32, #tpu.memory_space<vmem>>, vector<16xf32>,
      %mul3A_802 = arith.constant 128 : i32
      %mul3A_803 = arith.muli %scan3A_744, %mul3A_802 : i32
      %add3A_804 = arith.constant 80 : i32
      %add3A_805 = arith.addi %mul3A_803, %add3A_804 : i32
      %get3A_806 = arith.index_cast %add3A_805 : i32 to index
      %get3A_807 = tpu.vector_load %arg7[%get3A_806] {strides = array<i32>} : memref<16384xi32, #tpu.memory_space<vmem>>, vector<16xi32>,
      %gather3A_808 = tpu.vector_load_idx %arg5[%get3A_807] : memref<1024xf32, #tpu.memory_space<vmem>>[vector<16xi32>], vector<16xf32>,
      %swap3A_809 = arith.index_cast %add3A_805 : i32 to index
      %swap3A_810 = tpu.vector_load %arg8[%swap3A_809] {strides = array<i32>} : memref<16384xf32, #tpu.memory_space<vmem>>, vector<16xf32>,
      tpu.vector_store %arg8[%swap3A_809], %gather3A_808 {strides = array<i32>} : memref<16384xf32, #tpu.memory_space<vmem>>, vector<16xf32>,
      %gather3A_811 = tpu.vector_load_idx %arg6[%get3A_807] : memref<1024xf32, #tpu.memory_space<vmem>>[vector<16xi32>], vector<16xf32>,
      %swap3A_812 = arith.index_cast %add3A_805 : i32 to index
      %swap3A_813 = tpu.vector_load %arg9[%swap3A_812] {strides = array<i32>} : memref<16384xf32, #tpu.memory_space<vmem>>, vector<16xf32>,
      tpu.vector_store %arg9[%swap3A_812], %gather3A_811 {strides = array<i32>} : memref<16384xf32, #tpu.memory_space<vmem>>, vector<16xf32>,
      %mul3A_814 = arith.constant 128 : i32
      %mul3A_815 = arith.muli %scan3A_744, %mul3A_814 : i32
      %add3A_816 = arith.constant 96 : i32
      %add3A_817 = arith.addi %mul3A_815, %add3A_816 : i32
      %get3A_818 = arith.index_cast %add3A_817 : i32 to index
      %get3A_819 = tpu.vector_load %arg7[%get3A_818] {strides = array<i32>} : memref<16384xi32, #tpu.memory_space<vmem>>, vector<16xi32>,
      %gather3A_820 = tpu.vector_load_idx %arg5[%get3A_819] : memref<1024xf32, #tpu.memory_space<vmem>>[vector<16xi32>], vector<16xf32>,
      %swap3A_821 = arith.index_cast %add3A_817 : i32 to index
      %swap3A_822 = tpu.vector_load %arg8[%swap3A_821] {strides = array<i32>} : memref<16384xf32, #tpu.memory_space<vmem>>, vector<16xf32>,
      tpu.vector_store %arg8[%swap3A_821], %gather3A_820 {strides = array<i32>} : memref<16384xf32, #tpu.memory_space<vmem>>, vector<16xf32>,
      %gather3A_823 = tpu.vector_load_idx %arg6[%get3A_819] : memref<1024xf32, #tpu.memory_space<vmem>>[vector<16xi32>], vector<16xf32>,
      %swap3A_824 = arith.index_cast %add3A_817 : i32 to index
      %swap3A_825 = tpu.vector_load %arg9[%swap3A_824] {strides = array<i32>} : memref<16384xf32, #tpu.memory_space<vmem>>, vector<16xf32>,
      tpu.vector_store %arg9[%swap3A_824], %gather3A_823 {strides = array<i32>} : memref<16384xf32, #tpu.memory_space<vmem>>, vector<16xf32>,
      %mul3A_826 = arith.constant 128 : i32
      %mul3A_827 = arith.muli %scan3A_744, %mul3A_826 : i32
      %add3A_828 = arith.constant 112 : i32
      %add3A_829 = arith.addi %mul3A_827, %add3A_828 : i32
      %get3A_830 = arith.index_cast %add3A_829 : i32 to index
      %get3A_831 = tpu.vector_load %arg7[%get3A_830] {strides = array<i32>} : memref<16384xi32, #tpu.memory_space<vmem>>, vector<16xi32>,
      %gather3A_832 = tpu.vector_load_idx %arg5[%get3A_831] : memref<1024xf32, #tpu.memory_space<vmem>>[vector<16xi32>], vector<16xf32>,
      %swap3A_833 = arith.index_cast %add3A_829 : i32 to index
      %swap3A_834 = tpu.vector_load %arg8[%swap3A_833] {strides = array<i32>} : memref<16384xf32, #tpu.memory_space<vmem>>, vector<16xf32>,
      tpu.vector_store %arg8[%swap3A_833], %gather3A_832 {strides = array<i32>} : memref<16384xf32, #tpu.memory_space<vmem>>, vector<16xf32>,
      %gather3A_835 = tpu.vector_load_idx %arg6[%get3A_831] : memref<1024xf32, #tpu.memory_space<vmem>>[vector<16xi32>], vector<16xf32>,
      %swap3A_836 = arith.index_cast %add3A_829 : i32 to index
      %swap3A_837 = tpu.vector_load %arg9[%swap3A_836] {strides = array<i32>} : memref<16384xf32, #tpu.memory_space<vmem>>, vector<16xf32>,
      tpu.vector_store %arg9[%swap3A_836], %gather3A_835 {strides = array<i32>} : memref<16384xf32, #tpu.memory_space<vmem>>, vector<16xf32>,
    }
    %scan3A_9 = arith.constant 128 : i32
    %dma_start3A = arith.constant 0 : i32
    %dma_start3A_10 = arith.constant 0 : i32
    %dma_start3A_11 = tpu.memref_slice %arg8[%dma_start3A_10] : memref<16384xf32, #tpu.memory_space<vmem>> -> memref<1024xf32, #tpu.memory_space<vmem>>
    %dma_start3A_12 = arith.constant 0 : i32
    %dma_start3A_13 = tpu.memref_slice %arg4[%dma_start3A, %mul3A_2, %dma_start3A_12] : memref<16x64x1024xf32, #tpu.memory_space<hbm>> -> memref<1x1x1024xf32, #tpu.memory_space<hbm>>
    %dma_start3A_14 = tpu.memref_squeeze %dma_start3A_13 : memref<1x1x1024xf32, #tpu.memory_space<hbm>> -> memref<1024xf32, #tpu.memory_space<hbm>>
    %dma_start3A_15 = arith.constant 0 : i32
    %dma_start3A_16 = tpu.memref_slice %arg4[%dma_start3A, %mul3A_2, %dma_start3A_15] : memref<16x64x1024xf32, #tpu.memory_space<hbm>> -> memref<1x1x1024xf32, #tpu.memory_space<hbm>>
    %dma_start3A_17 = tpu.memref_squeeze %dma_start3A_16 : memref<1x1x1024xf32, #tpu.memory_space<hbm>> -> memref<1024xf32, #tpu.memory_space<hbm>>
    %dma_start3A_18 = arith.constant 0 : i32
    %dma_start3A_19 = tpu.memref_slice %arg8[%dma_start3A_18] : memref<16384xf32, #tpu.memory_space<vmem>> -> memref<1024xf32, #tpu.memory_space<vmem>>
    tpu.enqueue_dma source(%dma_start3A_19 : memref<1024xf32, #tpu.memory_space<vmem>>) target(%dma_start3A_17 : memref<1024xf32, #tpu.memory_space<hbm>>) target_semaphore(%arg10 : memref<!tpu.dma_semaphore, #tpu.memory_space<semaphore_mem>>)
    %add3A_20 = arith.constant 1 : i32
    %add3A_21 = arith.addi %mul3A_2, %add3A_20 : i32
    %dma_start3A_22 = arith.constant 0 : i32
    %dma_start3A_23 = arith.constant 0 : i32
    %dma_start3A_24 = tpu.memref_slice %arg9[%dma_start3A_23] : memref<16384xf32, #tpu.memory_space<vmem>> -> memref<1024xf32, #tpu.memory_space<vmem>>
    %dma_start3A_25 = arith.constant 0 : i32
    %dma_start3A_26 = tpu.memref_slice %arg4[%dma_start3A_22, %add3A_21, %dma_start3A_25] : memref<16x64x1024xf32, #tpu.memory_space<hbm>> -> memref<1x1x1024xf32, #tpu.memory_space<hbm>>
    %dma_start3A_27 = tpu.memref_squeeze %dma_start3A_26 : memref<1x1x1024xf32, #tpu.memory_space<hbm>> -> memref<1024xf32, #tpu.memory_space<hbm>>
    %dma_start3A_28 = arith.constant 0 : i32
    %dma_start3A_29 = tpu.memref_slice %arg4[%dma_start3A_22, %add3A_21, %dma_start3A_28] : memref<16x64x1024xf32, #tpu.memory_space<hbm>> -> memref<1x1x1024xf32, #tpu.memory_space<hbm>>
    %dma_start3A_30 = tpu.memref_squeeze %dma_start3A_29 : memref<1x1x1024xf32, #tpu.memory_space<hbm>> -> memref<1024xf32, #tpu.memory_space<hbm>>
    %dma_start3A_31 = arith.constant 0 : i32
    %dma_start3A_32 = tpu.memref_slice %arg9[%dma_start3A_31] : memref<16384xf32, #tpu.memory_space<vmem>> -> memref<1024xf32, #tpu.memory_space<vmem>>
    tpu.enqueue_dma source(%dma_start3A_32 : memref<1024xf32, #tpu.memory_space<vmem>>) target(%dma_start3A_30 : memref<1024xf32, #tpu.memory_space<hbm>>) target_semaphore(%arg10 : memref<!tpu.dma_semaphore, #tpu.memory_space<semaphore_mem>>)
    %dma_start3A_33 = arith.constant 1 : i32
    %dma_start3A_34 = arith.constant 1024 : i32
    %dma_start3A_35 = tpu.memref_slice %arg8[%dma_start3A_34] : memref<16384xf32, #tpu.memory_space<vmem>> -> memref<1024xf32, #tpu.memory_space<vmem>>
    %dma_start3A_36 = arith.constant 0 : i32
    %dma_start3A_37 = tpu.memref_slice %arg4[%dma_start3A_33, %mul3A_2, %dma_start3A_36] : memref<16x64x1024xf32, #tpu.memory_space<hbm>> -> memref<1x1x1024xf32, #tpu.memory_space<hbm>>
    %dma_start3A_38 = tpu.memref_squeeze %dma_start3A_37 : memref<1x1x1024xf32, #tpu.memory_space<hbm>> -> memref<1024xf32, #tpu.memory_space<hbm>>
    %dma_start3A_39 = arith.constant 0 : i32
    %dma_start3A_40 = tpu.memref_slice %arg4[%dma_start3A_33, %mul3A_2, %dma_start3A_39] : memref<16x64x1024xf32, #tpu.memory_space<hbm>> -> memref<1x1x1024xf32, #tpu.memory_space<hbm>>
    %dma_start3A_41 = tpu.memref_squeeze %dma_start3A_40 : memref<1x1x1024xf32, #tpu.memory_space<hbm>> -> memref<1024xf32, #tpu.memory_space<hbm>>
    %dma_start3A_42 = arith.constant 1024 : i32
    %dma_start3A_43 = tpu.memref_slice %arg8[%dma_start3A_42] : memref<16384xf32, #tpu.memory_space<vmem>> -> memref<1024xf32, #tpu.memory_space<vmem>>
    tpu.enqueue_dma source(%dma_start3A_43 : memref<1024xf32, #tpu.memory_space<vmem>>) target(%dma_start3A_41 : memref<1024xf32, #tpu.memory_space<hbm>>) target_semaphore(%arg10 : memref<!tpu.dma_semaphore, #tpu.memory_space<semaphore_mem>>)
    %add3A_44 = arith.constant 1 : i32
    %add3A_45 = arith.addi %mul3A_2, %add3A_44 : i32
    %dma_start3A_46 = arith.constant 1 : i32
    %dma_start3A_47 = arith.constant 1024 : i32
    %dma_start3A_48 = tpu.memref_slice %arg9[%dma_start3A_47] : memref<16384xf32, #tpu.memory_space<vmem>> -> memref<1024xf32, #tpu.memory_space<vmem>>
    %dma_start3A_49 = arith.constant 0 : i32
    %dma_start3A_50 = tpu.memref_slice %arg4[%dma_start3A_46, %add3A_45, %dma_start3A_49] : memref<16x64x1024xf32, #tpu.memory_space<hbm>> -> memref<1x1x1024xf32, #tpu.memory_space<hbm>>
    %dma_start3A_51 = tpu.memref_squeeze %dma_start3A_50 : memref<1x1x1024xf32, #tpu.memory_space<hbm>> -> memref<1024xf32, #tpu.memory_space<hbm>>
    %dma_start3A_52 = arith.constant 0 : i32
    %dma_start3A_53 = tpu.memref_slice %arg4[%dma_start3A_46, %add3A_45, %dma_start3A_52] : memref<16x64x1024xf32, #tpu.memory_space<hbm>> -> memref<1x1x1024xf32, #tpu.memory_space<hbm>>
    %dma_start3A_54 = tpu.memref_squeeze %dma_start3A_53 : memref<1x1x1024xf32, #tpu.memory_space<hbm>> -> memref<1024xf32, #tpu.memory_space<hbm>>
    %dma_start3A_55 = arith.constant 1024 : i32
    %dma_start3A_56 = tpu.memref_slice %arg9[%dma_start3A_55] : memref<16384xf32, #tpu.memory_space<vmem>> -> memref<1024xf32, #tpu.memory_space<vmem>>
    tpu.enqueue_dma source(%dma_start3A_56 : memref<1024xf32, #tpu.memory_space<vmem>>) target(%dma_start3A_54 : memref<1024xf32, #tpu.memory_space<hbm>>) target_semaphore(%arg10 : memref<!tpu.dma_semaphore, #tpu.memory_space<semaphore_mem>>)
    %dma_start3A_57 = arith.constant 2 : i32
    %dma_start3A_58 = arith.constant 2048 : i32
    %dma_start3A_59 = tpu.memref_slice %arg8[%dma_start3A_58] : memref<16384xf32, #tpu.memory_space<vmem>> -> memref<1024xf32, #tpu.memory_space<vmem>>
    %dma_start3A_60 = arith.constant 0 : i32
    %dma_start3A_61 = tpu.memref_slice %arg4[%dma_start3A_57, %mul3A_2, %dma_start3A_60] : memref<16x64x1024xf32, #tpu.memory_space<hbm>> -> memref<1x1x1024xf32, #tpu.memory_space<hbm>>
    %dma_start3A_62 = tpu.memref_squeeze %dma_start3A_61 : memref<1x1x1024xf32, #tpu.memory_space<hbm>> -> memref<1024xf32, #tpu.memory_space<hbm>>
    %dma_start3A_63 = arith.constant 0 : i32
    %dma_start3A_64 = tpu.memref_slice %arg4[%dma_start3A_57, %mul3A_2, %dma_start3A_63] : memref<16x64x1024xf32, #tpu.memory_space<hbm>> -> memref<1x1x1024xf32, #tpu.memory_space<hbm>>
    %dma_start3A_65 = tpu.memref_squeeze %dma_start3A_64 : memref<1x1x1024xf32, #tpu.memory_space<hbm>> -> memref<1024xf32, #tpu.memory_space<hbm>>
    %dma_start3A_66 = arith.constant 2048 : i32
    %dma_start3A_67 = tpu.memref_slice %arg8[%dma_start3A_66] : memref<16384xf32, #tpu.memory_space<vmem>> -> memref<1024xf32, #tpu.memory_space<vmem>>
    tpu.enqueue_dma source(%dma_start3A_67 : memref<1024xf32, #tpu.memory_space<vmem>>) target(%dma_start3A_65 : memref<1024xf32, #tpu.memory_space<hbm>>) target_semaphore(%arg10 : memref<!tpu.dma_semaphore, #tpu.memory_space<semaphore_mem>>)
    %add3A_68 = arith.constant 1 : i32
    %add3A_69 = arith.addi %mul3A_2, %add3A_68 : i32
    %dma_start3A_70 = arith.constant 2 : i32
    %dma_start3A_71 = arith.constant 2048 : i32
    %dma_start3A_72 = tpu.memref_slice %arg9[%dma_start3A_71] : memref<16384xf32, #tpu.memory_space<vmem>> -> memref<1024xf32, #tpu.memory_space<vmem>>
    %dma_start3A_73 = arith.constant 0 : i32
    %dma_start3A_74 = tpu.memref_slice %arg4[%dma_start3A_70, %add3A_69, %dma_start3A_73] : memref<16x64x1024xf32, #tpu.memory_space<hbm>> -> memref<1x1x1024xf32, #tpu.memory_space<hbm>>
    %dma_start3A_75 = tpu.memref_squeeze %dma_start3A_74 : memref<1x1x1024xf32, #tpu.memory_space<hbm>> -> memref<1024xf32, #tpu.memory_space<hbm>>
    %dma_start3A_76 = arith.constant 0 : i32
    %dma_start3A_77 = tpu.memref_slice %arg4[%dma_start3A_70, %add3A_69, %dma_start3A_76] : memref<16x64x1024xf32, #tpu.memory_space<hbm>> -> memref<1x1x1024xf32, #tpu.memory_space<hbm>>
    %dma_start3A_78 = tpu.memref_squeeze %dma_start3A_77 : memref<1x1x1024xf32, #tpu.memory_space<hbm>> -> memref<1024xf32, #tpu.memory_space<hbm>>
    %dma_start3A_79 = arith.constant 2048 : i32
    %dma_start3A_80 = tpu.memref_slice %arg9[%dma_start3A_79] : memref<16384xf32, #tpu.memory_space<vmem>> -> memref<1024xf32, #tpu.memory_space<vmem>>
    tpu.enqueue_dma source(%dma_start3A_80 : memref<1024xf32, #tpu.memory_space<vmem>>) target(%dma_start3A_78 : memref<1024xf32, #tpu.memory_space<hbm>>) target_semaphore(%arg10 : memref<!tpu.dma_semaphore, #tpu.memory_space<semaphore_mem>>)
    %dma_start3A_81 = arith.constant 3 : i32
    %dma_start3A_82 = arith.constant 3072 : i32
    %dma_start3A_83 = tpu.memref_slice %arg8[%dma_start3A_82] : memref<16384xf32, #tpu.memory_space<vmem>> -> memref<1024xf32, #tpu.memory_space<vmem>>
    %dma_start3A_84 = arith.constant 0 : i32
    %dma_start3A_85 = tpu.memref_slice %arg4[%dma_start3A_81, %mul3A_2, %dma_start3A_84] : memref<16x64x1024xf32, #tpu.memory_space<hbm>> -> memref<1x1x1024xf32, #tpu.memory_space<hbm>>
    %dma_start3A_86 = tpu.memref_squeeze %dma_start3A_85 : memref<1x1x1024xf32, #tpu.memory_space<hbm>> -> memref<1024xf32, #tpu.memory_space<hbm>>
    %dma_start3A_87 = arith.constant 0 : i32
    %dma_start3A_88 = tpu.memref_slice %arg4[%dma_start3A_81, %mul3A_2, %dma_start3A_87] : memref<16x64x1024xf32, #tpu.memory_space<hbm>> -> memref<1x1x1024xf32, #tpu.memory_space<hbm>>
    %dma_start3A_89 = tpu.memref_squeeze %dma_start3A_88 : memref<1x1x1024xf32, #tpu.memory_space<hbm>> -> memref<1024xf32, #tpu.memory_space<hbm>>
    %dma_start3A_90 = arith.constant 3072 : i32
    %dma_start3A_91 = tpu.memref_slice %arg8[%dma_start3A_90] : memref<16384xf32, #tpu.memory_space<vmem>> -> memref<1024xf32, #tpu.memory_space<vmem>>
    tpu.enqueue_dma source(%dma_start3A_91 : memref<1024xf32, #tpu.memory_space<vmem>>) target(%dma_start3A_89 : memref<1024xf32, #tpu.memory_space<hbm>>) target_semaphore(%arg10 : memref<!tpu.dma_semaphore, #tpu.memory_space<semaphore_mem>>)
    %add3A_92 = arith.constant 1 : i32
    %add3A_93 = arith.addi %mul3A_2, %add3A_92 : i32
    %dma_start3A_94 = arith.constant 3 : i32
    %dma_start3A_95 = arith.constant 3072 : i32
    %dma_start3A_96 = tpu.memref_slice %arg9[%dma_start3A_95] : memref<16384xf32, #tpu.memory_space<vmem>> -> memref<1024xf32, #tpu.memory_space<vmem>>
    %dma_start3A_97 = arith.constant 0 : i32
    %dma_start3A_98 = tpu.memref_slice %arg4[%dma_start3A_94, %add3A_93, %dma_start3A_97] : memref<16x64x1024xf32, #tpu.memory_space<hbm>> -> memref<1x1x1024xf32, #tpu.memory_space<hbm>>
    %dma_start3A_99 = tpu.memref_squeeze %dma_start3A_98 : memref<1x1x1024xf32, #tpu.memory_space<hbm>> -> memref<1024xf32, #tpu.memory_space<hbm>>
    %dma_start3A_100 = arith.constant 0 : i32
    %dma_start3A_101 = tpu.memref_slice %arg4[%dma_start3A_94, %add3A_93, %dma_start3A_100] : memref<16x64x1024xf32, #tpu.memory_space<hbm>> -> memref<1x1x1024xf32, #tpu.memory_space<hbm>>
    %dma_start3A_102 = tpu.memref_squeeze %dma_start3A_101 : memref<1x1x1024xf32, #tpu.memory_space<hbm>> -> memref<1024xf32, #tpu.memory_space<hbm>>
    %dma_start3A_103 = arith.constant 3072 : i32
    %dma_start3A_104 = tpu.memref_slice %arg9[%dma_start3A_103] : memref<16384xf32, #tpu.memory_space<vmem>> -> memref<1024xf32, #tpu.memory_space<vmem>>
    tpu.enqueue_dma source(%dma_start3A_104 : memref<1024xf32, #tpu.memory_space<vmem>>) target(%dma_start3A_102 : memref<1024xf32, #tpu.memory_space<hbm>>) target_semaphore(%arg10 : memref<!tpu.dma_semaphore, #tpu.memory_space<semaphore_mem>>)
    %dma_start3A_105 = arith.constant 4 : i32
    %dma_start3A_106 = arith.constant 4096 : i32
    %dma_start3A_107 = tpu.memref_slice %arg8[%dma_start3A_106] : memref<16384xf32, #tpu.memory_space<vmem>> -> memref<1024xf32, #tpu.memory_space<vmem>>
    %dma_start3A_108 = arith.constant 0 : i32
    %dma_start3A_109 = tpu.memref_slice %arg4[%dma_start3A_105, %mul3A_2, %dma_start3A_108] : memref<16x64x1024xf32, #tpu.memory_space<hbm>> -> memref<1x1x1024xf32, #tpu.memory_space<hbm>>
    %dma_start3A_110 = tpu.memref_squeeze %dma_start3A_109 : memref<1x1x1024xf32, #tpu.memory_space<hbm>> -> memref<1024xf32, #tpu.memory_space<hbm>>
    %dma_start3A_111 = arith.constant 0 : i32
    %dma_start3A_112 = tpu.memref_slice %arg4[%dma_start3A_105, %mul3A_2, %dma_start3A_111] : memref<16x64x1024xf32, #tpu.memory_space<hbm>> -> memref<1x1x1024xf32, #tpu.memory_space<hbm>>
    %dma_start3A_113 = tpu.memref_squeeze %dma_start3A_112 : memref<1x1x1024xf32, #tpu.memory_space<hbm>> -> memref<1024xf32, #tpu.memory_space<hbm>>
    %dma_start3A_114 = arith.constant 4096 : i32
    %dma_start3A_115 = tpu.memref_slice %arg8[%dma_start3A_114] : memref<16384xf32, #tpu.memory_space<vmem>> -> memref<1024xf32, #tpu.memory_space<vmem>>
    tpu.enqueue_dma source(%dma_start3A_115 : memref<1024xf32, #tpu.memory_space<vmem>>) target(%dma_start3A_113 : memref<1024xf32, #tpu.memory_space<hbm>>) target_semaphore(%arg10 : memref<!tpu.dma_semaphore, #tpu.memory_space<semaphore_mem>>)
    %add3A_116 = arith.constant 1 : i32
    %add3A_117 = arith.addi %mul3A_2, %add3A_116 : i32
    %dma_start3A_118 = arith.constant 4 : i32
    %dma_start3A_119 = arith.constant 4096 : i32
    %dma_start3A_120 = tpu.memref_slice %arg9[%dma_start3A_119] : memref<16384xf32, #tpu.memory_space<vmem>> -> memref<1024xf32, #tpu.memory_space<vmem>>
    %dma_start3A_121 = arith.constant 0 : i32
    %dma_start3A_122 = tpu.memref_slice %arg4[%dma_start3A_118, %add3A_117, %dma_start3A_121] : memref<16x64x1024xf32, #tpu.memory_space<hbm>> -> memref<1x1x1024xf32, #tpu.memory_space<hbm>>
    %dma_start3A_123 = tpu.memref_squeeze %dma_start3A_122 : memref<1x1x1024xf32, #tpu.memory_space<hbm>> -> memref<1024xf32, #tpu.memory_space<hbm>>
    %dma_start3A_124 = arith.constant 0 : i32
    %dma_start3A_125 = tpu.memref_slice %arg4[%dma_start3A_118, %add3A_117, %dma_start3A_124] : memref<16x64x1024xf32, #tpu.memory_space<hbm>> -> memref<1x1x1024xf32, #tpu.memory_space<hbm>>
    %dma_start3A_126 = tpu.memref_squeeze %dma_start3A_125 : memref<1x1x1024xf32, #tpu.memory_space<hbm>> -> memref<1024xf32, #tpu.memory_space<hbm>>
    %dma_start3A_127 = arith.constant 4096 : i32
    %dma_start3A_128 = tpu.memref_slice %arg9[%dma_start3A_127] : memref<16384xf32, #tpu.memory_space<vmem>> -> memref<1024xf32, #tpu.memory_space<vmem>>
    tpu.enqueue_dma source(%dma_start3A_128 : memref<1024xf32, #tpu.memory_space<vmem>>) target(%dma_start3A_126 : memref<1024xf32, #tpu.memory_space<hbm>>) target_semaphore(%arg10 : memref<!tpu.dma_semaphore, #tpu.memory_space<semaphore_mem>>)
    %dma_start3A_129 = arith.constant 5 : i32
    %dma_start3A_130 = arith.constant 5120 : i32
    %dma_start3A_131 = tpu.memref_slice %arg8[%dma_start3A_130] : memref<16384xf32, #tpu.memory_space<vmem>> -> memref<1024xf32, #tpu.memory_space<vmem>>
    %dma_start3A_132 = arith.constant 0 : i32
    %dma_start3A_133 = tpu.memref_slice %arg4[%dma_start3A_129, %mul3A_2, %dma_start3A_132] : memref<16x64x1024xf32, #tpu.memory_space<hbm>> -> memref<1x1x1024xf32, #tpu.memory_space<hbm>>
    %dma_start3A_134 = tpu.memref_squeeze %dma_start3A_133 : memref<1x1x1024xf32, #tpu.memory_space<hbm>> -> memref<1024xf32, #tpu.memory_space<hbm>>
    %dma_start3A_135 = arith.constant 0 : i32
    %dma_start3A_136 = tpu.memref_slice %arg4[%dma_start3A_129, %mul3A_2, %dma_start3A_135] : memref<16x64x1024xf32, #tpu.memory_space<hbm>> -> memref<1x1x1024xf32, #tpu.memory_space<hbm>>
    %dma_start3A_137 = tpu.memref_squeeze %dma_start3A_136 : memref<1x1x1024xf32, #tpu.memory_space<hbm>> -> memref<1024xf32, #tpu.memory_space<hbm>>
    %dma_start3A_138 = arith.constant 5120 : i32
    %dma_start3A_139 = tpu.memref_slice %arg8[%dma_start3A_138] : memref<16384xf32, #tpu.memory_space<vmem>> -> memref<1024xf32, #tpu.memory_space<vmem>>
    tpu.enqueue_dma source(%dma_start3A_139 : memref<1024xf32, #tpu.memory_space<vmem>>) target(%dma_start3A_137 : memref<1024xf32, #tpu.memory_space<hbm>>) target_semaphore(%arg10 : memref<!tpu.dma_semaphore, #tpu.memory_space<semaphore_mem>>)
    %add3A_140 = arith.constant 1 : i32
    %add3A_141 = arith.addi %mul3A_2, %add3A_140 : i32
    %dma_start3A_142 = arith.constant 5 : i32
    %dma_start3A_143 = arith.constant 5120 : i32
    %dma_start3A_144 = tpu.memref_slice %arg9[%dma_start3A_143] : memref<16384xf32, #tpu.memory_space<vmem>> -> memref<1024xf32, #tpu.memory_space<vmem>>
    %dma_start3A_145 = arith.constant 0 : i32
    %dma_start3A_146 = tpu.memref_slice %arg4[%dma_start3A_142, %add3A_141, %dma_start3A_145] : memref<16x64x1024xf32, #tpu.memory_space<hbm>> -> memref<1x1x1024xf32, #tpu.memory_space<hbm>>
    %dma_start3A_147 = tpu.memref_squeeze %dma_start3A_146 : memref<1x1x1024xf32, #tpu.memory_space<hbm>> -> memref<1024xf32, #tpu.memory_space<hbm>>
    %dma_start3A_148 = arith.constant 0 : i32
    %dma_start3A_149 = tpu.memref_slice %arg4[%dma_start3A_142, %add3A_141, %dma_start3A_148] : memref<16x64x1024xf32, #tpu.memory_space<hbm>> -> memref<1x1x1024xf32, #tpu.memory_space<hbm>>
    %dma_start3A_150 = tpu.memref_squeeze %dma_start3A_149 : memref<1x1x1024xf32, #tpu.memory_space<hbm>> -> memref<1024xf32, #tpu.memory_space<hbm>>
    %dma_start3A_151 = arith.constant 5120 : i32
    %dma_start3A_152 = tpu.memref_slice %arg9[%dma_start3A_151] : memref<16384xf32, #tpu.memory_space<vmem>> -> memref<1024xf32, #tpu.memory_space<vmem>>
    tpu.enqueue_dma source(%dma_start3A_152 : memref<1024xf32, #tpu.memory_space<vmem>>) target(%dma_start3A_150 : memref<1024xf32, #tpu.memory_space<hbm>>) target_semaphore(%arg10 : memref<!tpu.dma_semaphore, #tpu.memory_space<semaphore_mem>>)
    %dma_start3A_153 = arith.constant 6 : i32
    %dma_start3A_154 = arith.constant 6144 : i32
    %dma_start3A_155 = tpu.memref_slice %arg8[%dma_start3A_154] : memref<16384xf32, #tpu.memory_space<vmem>> -> memref<1024xf32, #tpu.memory_space<vmem>>
    %dma_start3A_156 = arith.constant 0 : i32
    %dma_start3A_157 = tpu.memref_slice %arg4[%dma_start3A_153, %mul3A_2, %dma_start3A_156] : memref<16x64x1024xf32, #tpu.memory_space<hbm>> -> memref<1x1x1024xf32, #tpu.memory_space<hbm>>
    %dma_start3A_158 = tpu.memref_squeeze %dma_start3A_157 : memref<1x1x1024xf32, #tpu.memory_space<hbm>> -> memref<1024xf32, #tpu.memory_space<hbm>>
    %dma_start3A_159 = arith.constant 0 : i32
    %dma_start3A_160 = tpu.memref_slice %arg4[%dma_start3A_153, %mul3A_2, %dma_start3A_159] : memref<16x64x1024xf32, #tpu.memory_space<hbm>> -> memref<1x1x1024xf32, #tpu.memory_space<hbm>>
    %dma_start3A_161 = tpu.memref_squeeze %dma_start3A_160 : memref<1x1x1024xf32, #tpu.memory_space<hbm>> -> memref<1024xf32, #tpu.memory_space<hbm>>
    %dma_start3A_162 = arith.constant 6144 : i32
    %dma_start3A_163 = tpu.memref_slice %arg8[%dma_start3A_162] : memref<16384xf32, #tpu.memory_space<vmem>> -> memref<1024xf32, #tpu.memory_space<vmem>>
    tpu.enqueue_dma source(%dma_start3A_163 : memref<1024xf32, #tpu.memory_space<vmem>>) target(%dma_start3A_161 : memref<1024xf32, #tpu.memory_space<hbm>>) target_semaphore(%arg10 : memref<!tpu.dma_semaphore, #tpu.memory_space<semaphore_mem>>)
    %add3A_164 = arith.constant 1 : i32
    %add3A_165 = arith.addi %mul3A_2, %add3A_164 : i32
    %dma_start3A_166 = arith.constant 6 : i32
    %dma_start3A_167 = arith.constant 6144 : i32
    %dma_start3A_168 = tpu.memref_slice %arg9[%dma_start3A_167] : memref<16384xf32, #tpu.memory_space<vmem>> -> memref<1024xf32, #tpu.memory_space<vmem>>
    %dma_start3A_169 = arith.constant 0 : i32
    %dma_start3A_170 = tpu.memref_slice %arg4[%dma_start3A_166, %add3A_165, %dma_start3A_169] : memref<16x64x1024xf32, #tpu.memory_space<hbm>> -> memref<1x1x1024xf32, #tpu.memory_space<hbm>>
    %dma_start3A_171 = tpu.memref_squeeze %dma_start3A_170 : memref<1x1x1024xf32, #tpu.memory_space<hbm>> -> memref<1024xf32, #tpu.memory_space<hbm>>
    %dma_start3A_172 = arith.constant 0 : i32
    %dma_start3A_173 = tpu.memref_slice %arg4[%dma_start3A_166, %add3A_165, %dma_start3A_172] : memref<16x64x1024xf32, #tpu.memory_space<hbm>> -> memref<1x1x1024xf32, #tpu.memory_space<hbm>>
    %dma_start3A_174 = tpu.memref_squeeze %dma_start3A_173 : memref<1x1x1024xf32, #tpu.memory_space<hbm>> -> memref<1024xf32, #tpu.memory_space<hbm>>
    %dma_start3A_175 = arith.constant 6144 : i32
    %dma_start3A_176 = tpu.memref_slice %arg9[%dma_start3A_175] : memref<16384xf32, #tpu.memory_space<vmem>> -> memref<1024xf32, #tpu.memory_space<vmem>>
    tpu.enqueue_dma source(%dma_start3A_176 : memref<1024xf32, #tpu.memory_space<vmem>>) target(%dma_start3A_174 : memref<1024xf32, #tpu.memory_space<hbm>>) target_semaphore(%arg10 : memref<!tpu.dma_semaphore, #tpu.memory_space<semaphore_mem>>)
    %dma_start3A_177 = arith.constant 7 : i32
    %dma_start3A_178 = arith.constant 7168 : i32
    %dma_start3A_179 = tpu.memref_slice %arg8[%dma_start3A_178] : memref<16384xf32, #tpu.memory_space<vmem>> -> memref<1024xf32, #tpu.memory_space<vmem>>
    %dma_start3A_180 = arith.constant 0 : i32
    %dma_start3A_181 = tpu.memref_slice %arg4[%dma_start3A_177, %mul3A_2, %dma_start3A_180] : memref<16x64x1024xf32, #tpu.memory_space<hbm>> -> memref<1x1x1024xf32, #tpu.memory_space<hbm>>
    %dma_start3A_182 = tpu.memref_squeeze %dma_start3A_181 : memref<1x1x1024xf32, #tpu.memory_space<hbm>> -> memref<1024xf32, #tpu.memory_space<hbm>>
    %dma_start3A_183 = arith.constant 0 : i32
    %dma_start3A_184 = tpu.memref_slice %arg4[%dma_start3A_177, %mul3A_2, %dma_start3A_183] : memref<16x64x1024xf32, #tpu.memory_space<hbm>> -> memref<1x1x1024xf32, #tpu.memory_space<hbm>>
    %dma_start3A_185 = tpu.memref_squeeze %dma_start3A_184 : memref<1x1x1024xf32, #tpu.memory_space<hbm>> -> memref<1024xf32, #tpu.memory_space<hbm>>
    %dma_start3A_186 = arith.constant 7168 : i32
    %dma_start3A_187 = tpu.memref_slice %arg8[%dma_start3A_186] : memref<16384xf32, #tpu.memory_space<vmem>> -> memref<1024xf32, #tpu.memory_space<vmem>>
    tpu.enqueue_dma source(%dma_start3A_187 : memref<1024xf32, #tpu.memory_space<vmem>>) target(%dma_start3A_185 : memref<1024xf32, #tpu.memory_space<hbm>>) target_semaphore(%arg10 : memref<!tpu.dma_semaphore, #tpu.memory_space<semaphore_mem>>)
    %add3A_188 = arith.constant 1 : i32
    %add3A_189 = arith.addi %mul3A_2, %add3A_188 : i32
    %dma_start3A_190 = arith.constant 7 : i32
    %dma_start3A_191 = arith.constant 7168 : i32
    %dma_start3A_192 = tpu.memref_slice %arg9[%dma_start3A_191] : memref<16384xf32, #tpu.memory_space<vmem>> -> memref<1024xf32, #tpu.memory_space<vmem>>
    %dma_start3A_193 = arith.constant 0 : i32
    %dma_start3A_194 = tpu.memref_slice %arg4[%dma_start3A_190, %add3A_189, %dma_start3A_193] : memref<16x64x1024xf32, #tpu.memory_space<hbm>> -> memref<1x1x1024xf32, #tpu.memory_space<hbm>>
    %dma_start3A_195 = tpu.memref_squeeze %dma_start3A_194 : memref<1x1x1024xf32, #tpu.memory_space<hbm>> -> memref<1024xf32, #tpu.memory_space<hbm>>
    %dma_start3A_196 = arith.constant 0 : i32
    %dma_start3A_197 = tpu.memref_slice %arg4[%dma_start3A_190, %add3A_189, %dma_start3A_196] : memref<16x64x1024xf32, #tpu.memory_space<hbm>> -> memref<1x1x1024xf32, #tpu.memory_space<hbm>>
    %dma_start3A_198 = tpu.memref_squeeze %dma_start3A_197 : memref<1x1x1024xf32, #tpu.memory_space<hbm>> -> memref<1024xf32, #tpu.memory_space<hbm>>
    %dma_start3A_199 = arith.constant 7168 : i32
    %dma_start3A_200 = tpu.memref_slice %arg9[%dma_start3A_199] : memref<16384xf32, #tpu.memory_space<vmem>> -> memref<1024xf32, #tpu.memory_space<vmem>>
    tpu.enqueue_dma source(%dma_start3A_200 : memref<1024xf32, #tpu.memory_space<vmem>>) target(%dma_start3A_198 : memref<1024xf32, #tpu.memory_space<hbm>>) target_semaphore(%arg10 : memref<!tpu.dma_semaphore, #tpu.memory_space<semaphore_mem>>)
    %dma_start3A_201 = arith.constant 8 : i32
    %dma_start3A_202 = arith.constant 8192 : i32
    %dma_start3A_203 = tpu.memref_slice %arg8[%dma_start3A_202] : memref<16384xf32, #tpu.memory_space<vmem>> -> memref<1024xf32, #tpu.memory_space<vmem>>
    %dma_start3A_204 = arith.constant 0 : i32
    %dma_start3A_205 = tpu.memref_slice %arg4[%dma_start3A_201, %mul3A_2, %dma_start3A_204] : memref<16x64x1024xf32, #tpu.memory_space<hbm>> -> memref<1x1x1024xf32, #tpu.memory_space<hbm>>
    %dma_start3A_206 = tpu.memref_squeeze %dma_start3A_205 : memref<1x1x1024xf32, #tpu.memory_space<hbm>> -> memref<1024xf32, #tpu.memory_space<hbm>>
    %dma_start3A_207 = arith.constant 0 : i32
    %dma_start3A_208 = tpu.memref_slice %arg4[%dma_start3A_201, %mul3A_2, %dma_start3A_207] : memref<16x64x1024xf32, #tpu.memory_space<hbm>> -> memref<1x1x1024xf32, #tpu.memory_space<hbm>>
    %dma_start3A_209 = tpu.memref_squeeze %dma_start3A_208 : memref<1x1x1024xf32, #tpu.memory_space<hbm>> -> memref<1024xf32, #tpu.memory_space<hbm>>
    %dma_start3A_210 = arith.constant 8192 : i32
    %dma_start3A_211 = tpu.memref_slice %arg8[%dma_start3A_210] : memref<16384xf32, #tpu.memory_space<vmem>> -> memref<1024xf32, #tpu.memory_space<vmem>>
    tpu.enqueue_dma source(%dma_start3A_211 : memref<1024xf32, #tpu.memory_space<vmem>>) target(%dma_start3A_209 : memref<1024xf32, #tpu.memory_space<hbm>>) target_semaphore(%arg10 : memref<!tpu.dma_semaphore, #tpu.memory_space<semaphore_mem>>)
    %add3A_212 = arith.constant 1 : i32
    %add3A_213 = arith.addi %mul3A_2, %add3A_212 : i32
    %dma_start3A_214 = arith.constant 8 : i32
    %dma_start3A_215 = arith.constant 8192 : i32
    %dma_start3A_216 = tpu.memref_slice %arg9[%dma_start3A_215] : memref<16384xf32, #tpu.memory_space<vmem>> -> memref<1024xf32, #tpu.memory_space<vmem>>
    %dma_start3A_217 = arith.constant 0 : i32
    %dma_start3A_218 = tpu.memref_slice %arg4[%dma_start3A_214, %add3A_213, %dma_start3A_217] : memref<16x64x1024xf32, #tpu.memory_space<hbm>> -> memref<1x1x1024xf32, #tpu.memory_space<hbm>>
    %dma_start3A_219 = tpu.memref_squeeze %dma_start3A_218 : memref<1x1x1024xf32, #tpu.memory_space<hbm>> -> memref<1024xf32, #tpu.memory_space<hbm>>
    %dma_start3A_220 = arith.constant 0 : i32
    %dma_start3A_221 = tpu.memref_slice %arg4[%dma_start3A_214, %add3A_213, %dma_start3A_220] : memref<16x64x1024xf32, #tpu.memory_space<hbm>> -> memref<1x1x1024xf32, #tpu.memory_space<hbm>>
    %dma_start3A_222 = tpu.memref_squeeze %dma_start3A_221 : memref<1x1x1024xf32, #tpu.memory_space<hbm>> -> memref<1024xf32, #tpu.memory_space<hbm>>
    %dma_start3A_223 = arith.constant 8192 : i32
    %dma_start3A_224 = tpu.memref_slice %arg9[%dma_start3A_223] : memref<16384xf32, #tpu.memory_space<vmem>> -> memref<1024xf32, #tpu.memory_space<vmem>>
    tpu.enqueue_dma source(%dma_start3A_224 : memref<1024xf32, #tpu.memory_space<vmem>>) target(%dma_start3A_222 : memref<1024xf32, #tpu.memory_space<hbm>>) target_semaphore(%arg10 : memref<!tpu.dma_semaphore, #tpu.memory_space<semaphore_mem>>)
    %dma_start3A_225 = arith.constant 9 : i32
    %dma_start3A_226 = arith.constant 9216 : i32
    %dma_start3A_227 = tpu.memref_slice %arg8[%dma_start3A_226] : memref<16384xf32, #tpu.memory_space<vmem>> -> memref<1024xf32, #tpu.memory_space<vmem>>
    %dma_start3A_228 = arith.constant 0 : i32
    %dma_start3A_229 = tpu.memref_slice %arg4[%dma_start3A_225, %mul3A_2, %dma_start3A_228] : memref<16x64x1024xf32, #tpu.memory_space<hbm>> -> memref<1x1x1024xf32, #tpu.memory_space<hbm>>
    %dma_start3A_230 = tpu.memref_squeeze %dma_start3A_229 : memref<1x1x1024xf32, #tpu.memory_space<hbm>> -> memref<1024xf32, #tpu.memory_space<hbm>>
    %dma_start3A_231 = arith.constant 0 : i32
    %dma_start3A_232 = tpu.memref_slice %arg4[%dma_start3A_225, %mul3A_2, %dma_start3A_231] : memref<16x64x1024xf32, #tpu.memory_space<hbm>> -> memref<1x1x1024xf32, #tpu.memory_space<hbm>>
    %dma_start3A_233 = tpu.memref_squeeze %dma_start3A_232 : memref<1x1x1024xf32, #tpu.memory_space<hbm>> -> memref<1024xf32, #tpu.memory_space<hbm>>
    %dma_start3A_234 = arith.constant 9216 : i32
    %dma_start3A_235 = tpu.memref_slice %arg8[%dma_start3A_234] : memref<16384xf32, #tpu.memory_space<vmem>> -> memref<1024xf32, #tpu.memory_space<vmem>>
    tpu.enqueue_dma source(%dma_start3A_235 : memref<1024xf32, #tpu.memory_space<vmem>>) target(%dma_start3A_233 : memref<1024xf32, #tpu.memory_space<hbm>>) target_semaphore(%arg10 : memref<!tpu.dma_semaphore, #tpu.memory_space<semaphore_mem>>)
    %add3A_236 = arith.constant 1 : i32
    %add3A_237 = arith.addi %mul3A_2, %add3A_236 : i32
    %dma_start3A_238 = arith.constant 9 : i32
    %dma_start3A_239 = arith.constant 9216 : i32
    %dma_start3A_240 = tpu.memref_slice %arg9[%dma_start3A_239] : memref<16384xf32, #tpu.memory_space<vmem>> -> memref<1024xf32, #tpu.memory_space<vmem>>
    %dma_start3A_241 = arith.constant 0 : i32
    %dma_start3A_242 = tpu.memref_slice %arg4[%dma_start3A_238, %add3A_237, %dma_start3A_241] : memref<16x64x1024xf32, #tpu.memory_space<hbm>> -> memref<1x1x1024xf32, #tpu.memory_space<hbm>>
    %dma_start3A_243 = tpu.memref_squeeze %dma_start3A_242 : memref<1x1x1024xf32, #tpu.memory_space<hbm>> -> memref<1024xf32, #tpu.memory_space<hbm>>
    %dma_start3A_244 = arith.constant 0 : i32
    %dma_start3A_245 = tpu.memref_slice %arg4[%dma_start3A_238, %add3A_237, %dma_start3A_244] : memref<16x64x1024xf32, #tpu.memory_space<hbm>> -> memref<1x1x1024xf32, #tpu.memory_space<hbm>>
    %dma_start3A_246 = tpu.memref_squeeze %dma_start3A_245 : memref<1x1x1024xf32, #tpu.memory_space<hbm>> -> memref<1024xf32, #tpu.memory_space<hbm>>
    %dma_start3A_247 = arith.constant 9216 : i32
    %dma_start3A_248 = tpu.memref_slice %arg9[%dma_start3A_247] : memref<16384xf32, #tpu.memory_space<vmem>> -> memref<1024xf32, #tpu.memory_space<vmem>>
    tpu.enqueue_dma source(%dma_start3A_248 : memref<1024xf32, #tpu.memory_space<vmem>>) target(%dma_start3A_246 : memref<1024xf32, #tpu.memory_space<hbm>>) target_semaphore(%arg10 : memref<!tpu.dma_semaphore, #tpu.memory_space<semaphore_mem>>)
    %dma_start3A_249 = arith.constant 10 : i32
    %dma_start3A_250 = arith.constant 10240 : i32
    %dma_start3A_251 = tpu.memref_slice %arg8[%dma_start3A_250] : memref<16384xf32, #tpu.memory_space<vmem>> -> memref<1024xf32, #tpu.memory_space<vmem>>
    %dma_start3A_252 = arith.constant 0 : i32
    %dma_start3A_253 = tpu.memref_slice %arg4[%dma_start3A_249, %mul3A_2, %dma_start3A_252] : memref<16x64x1024xf32, #tpu.memory_space<hbm>> -> memref<1x1x1024xf32, #tpu.memory_space<hbm>>
    %dma_start3A_254 = tpu.memref_squeeze %dma_start3A_253 : memref<1x1x1024xf32, #tpu.memory_space<hbm>> -> memref<1024xf32, #tpu.memory_space<hbm>>
    %dma_start3A_255 = arith.constant 0 : i32
    %dma_start3A_256 = tpu.memref_slice %arg4[%dma_start3A_249, %mul3A_2, %dma_start3A_255] : memref<16x64x1024xf32, #tpu.memory_space<hbm>> -> memref<1x1x1024xf32, #tpu.memory_space<hbm>>
    %dma_start3A_257 = tpu.memref_squeeze %dma_start3A_256 : memref<1x1x1024xf32, #tpu.memory_space<hbm>> -> memref<1024xf32, #tpu.memory_space<hbm>>
    %dma_start3A_258 = arith.constant 10240 : i32
    %dma_start3A_259 = tpu.memref_slice %arg8[%dma_start3A_258] : memref<16384xf32, #tpu.memory_space<vmem>> -> memref<1024xf32, #tpu.memory_space<vmem>>
    tpu.enqueue_dma source(%dma_start3A_259 : memref<1024xf32, #tpu.memory_space<vmem>>) target(%dma_start3A_257 : memref<1024xf32, #tpu.memory_space<hbm>>) target_semaphore(%arg10 : memref<!tpu.dma_semaphore, #tpu.memory_space<semaphore_mem>>)
    %add3A_260 = arith.constant 1 : i32
    %add3A_261 = arith.addi %mul3A_2, %add3A_260 : i32
    %dma_start3A_262 = arith.constant 10 : i32
    %dma_start3A_263 = arith.constant 10240 : i32
    %dma_start3A_264 = tpu.memref_slice %arg9[%dma_start3A_263] : memref<16384xf32, #tpu.memory_space<vmem>> -> memref<1024xf32, #tpu.memory_space<vmem>>
    %dma_start3A_265 = arith.constant 0 : i32
    %dma_start3A_266 = tpu.memref_slice %arg4[%dma_start3A_262, %add3A_261, %dma_start3A_265] : memref<16x64x1024xf32, #tpu.memory_space<hbm>> -> memref<1x1x1024xf32, #tpu.memory_space<hbm>>
    %dma_start3A_267 = tpu.memref_squeeze %dma_start3A_266 : memref<1x1x1024xf32, #tpu.memory_space<hbm>> -> memref<1024xf32, #tpu.memory_space<hbm>>
    %dma_start3A_268 = arith.constant 0 : i32
    %dma_start3A_269 = tpu.memref_slice %arg4[%dma_start3A_262, %add3A_261, %dma_start3A_268] : memref<16x64x1024xf32, #tpu.memory_space<hbm>> -> memref<1x1x1024xf32, #tpu.memory_space<hbm>>
    %dma_start3A_270 = tpu.memref_squeeze %dma_start3A_269 : memref<1x1x1024xf32, #tpu.memory_space<hbm>> -> memref<1024xf32, #tpu.memory_space<hbm>>
    %dma_start3A_271 = arith.constant 10240 : i32
    %dma_start3A_272 = tpu.memref_slice %arg9[%dma_start3A_271] : memref<16384xf32, #tpu.memory_space<vmem>> -> memref<1024xf32, #tpu.memory_space<vmem>>
    tpu.enqueue_dma source(%dma_start3A_272 : memref<1024xf32, #tpu.memory_space<vmem>>) target(%dma_start3A_270 : memref<1024xf32, #tpu.memory_space<hbm>>) target_semaphore(%arg10 : memref<!tpu.dma_semaphore, #tpu.memory_space<semaphore_mem>>)
    %dma_start3A_273 = arith.constant 11 : i32
    %dma_start3A_274 = arith.constant 11264 : i32
    %dma_start3A_275 = tpu.memref_slice %arg8[%dma_start3A_274] : memref<16384xf32, #tpu.memory_space<vmem>> -> memref<1024xf32, #tpu.memory_space<vmem>>
    %dma_start3A_276 = arith.constant 0 : i32
    %dma_start3A_277 = tpu.memref_slice %arg4[%dma_start3A_273, %mul3A_2, %dma_start3A_276] : memref<16x64x1024xf32, #tpu.memory_space<hbm>> -> memref<1x1x1024xf32, #tpu.memory_space<hbm>>
    %dma_start3A_278 = tpu.memref_squeeze %dma_start3A_277 : memref<1x1x1024xf32, #tpu.memory_space<hbm>> -> memref<1024xf32, #tpu.memory_space<hbm>>
    %dma_start3A_279 = arith.constant 0 : i32
    %dma_start3A_280 = tpu.memref_slice %arg4[%dma_start3A_273, %mul3A_2, %dma_start3A_279] : memref<16x64x1024xf32, #tpu.memory_space<hbm>> -> memref<1x1x1024xf32, #tpu.memory_space<hbm>>
    %dma_start3A_281 = tpu.memref_squeeze %dma_start3A_280 : memref<1x1x1024xf32, #tpu.memory_space<hbm>> -> memref<1024xf32, #tpu.memory_space<hbm>>
    %dma_start3A_282 = arith.constant 11264 : i32
    %dma_start3A_283 = tpu.memref_slice %arg8[%dma_start3A_282] : memref<16384xf32, #tpu.memory_space<vmem>> -> memref<1024xf32, #tpu.memory_space<vmem>>
    tpu.enqueue_dma source(%dma_start3A_283 : memref<1024xf32, #tpu.memory_space<vmem>>) target(%dma_start3A_281 : memref<1024xf32, #tpu.memory_space<hbm>>) target_semaphore(%arg10 : memref<!tpu.dma_semaphore, #tpu.memory_space<semaphore_mem>>)
    %add3A_284 = arith.constant 1 : i32
    %add3A_285 = arith.addi %mul3A_2, %add3A_284 : i32
    %dma_start3A_286 = arith.constant 11 : i32
    %dma_start3A_287 = arith.constant 11264 : i32
    %dma_start3A_288 = tpu.memref_slice %arg9[%dma_start3A_287] : memref<16384xf32, #tpu.memory_space<vmem>> -> memref<1024xf32, #tpu.memory_space<vmem>>
    %dma_start3A_289 = arith.constant 0 : i32
    %dma_start3A_290 = tpu.memref_slice %arg4[%dma_start3A_286, %add3A_285, %dma_start3A_289] : memref<16x64x1024xf32, #tpu.memory_space<hbm>> -> memref<1x1x1024xf32, #tpu.memory_space<hbm>>
    %dma_start3A_291 = tpu.memref_squeeze %dma_start3A_290 : memref<1x1x1024xf32, #tpu.memory_space<hbm>> -> memref<1024xf32, #tpu.memory_space<hbm>>
    %dma_start3A_292 = arith.constant 0 : i32
    %dma_start3A_293 = tpu.memref_slice %arg4[%dma_start3A_286, %add3A_285, %dma_start3A_292] : memref<16x64x1024xf32, #tpu.memory_space<hbm>> -> memref<1x1x1024xf32, #tpu.memory_space<hbm>>
    %dma_start3A_294 = tpu.memref_squeeze %dma_start3A_293 : memref<1x1x1024xf32, #tpu.memory_space<hbm>> -> memref<1024xf32, #tpu.memory_space<hbm>>
    %dma_start3A_295 = arith.constant 11264 : i32
    %dma_start3A_296 = tpu.memref_slice %arg9[%dma_start3A_295] : memref<16384xf32, #tpu.memory_space<vmem>> -> memref<1024xf32, #tpu.memory_space<vmem>>
    tpu.enqueue_dma source(%dma_start3A_296 : memref<1024xf32, #tpu.memory_space<vmem>>) target(%dma_start3A_294 : memref<1024xf32, #tpu.memory_space<hbm>>) target_semaphore(%arg10 : memref<!tpu.dma_semaphore, #tpu.memory_space<semaphore_mem>>)
    %dma_start3A_297 = arith.constant 12 : i32
    %dma_start3A_298 = arith.constant 12288 : i32
    %dma_start3A_299 = tpu.memref_slice %arg8[%dma_start3A_298] : memref<16384xf32, #tpu.memory_space<vmem>> -> memref<1024xf32, #tpu.memory_space<vmem>>
    %dma_start3A_300 = arith.constant 0 : i32
    %dma_start3A_301 = tpu.memref_slice %arg4[%dma_start3A_297, %mul3A_2, %dma_start3A_300] : memref<16x64x1024xf32, #tpu.memory_space<hbm>> -> memref<1x1x1024xf32, #tpu.memory_space<hbm>>
    %dma_start3A_302 = tpu.memref_squeeze %dma_start3A_301 : memref<1x1x1024xf32, #tpu.memory_space<hbm>> -> memref<1024xf32, #tpu.memory_space<hbm>>
    %dma_start3A_303 = arith.constant 0 : i32
    %dma_start3A_304 = tpu.memref_slice %arg4[%dma_start3A_297, %mul3A_2, %dma_start3A_303] : memref<16x64x1024xf32, #tpu.memory_space<hbm>> -> memref<1x1x1024xf32, #tpu.memory_space<hbm>>
    %dma_start3A_305 = tpu.memref_squeeze %dma_start3A_304 : memref<1x1x1024xf32, #tpu.memory_space<hbm>> -> memref<1024xf32, #tpu.memory_space<hbm>>
    %dma_start3A_306 = arith.constant 12288 : i32
    %dma_start3A_307 = tpu.memref_slice %arg8[%dma_start3A_306] : memref<16384xf32, #tpu.memory_space<vmem>> -> memref<1024xf32, #tpu.memory_space<vmem>>
    tpu.enqueue_dma source(%dma_start3A_307 : memref<1024xf32, #tpu.memory_space<vmem>>) target(%dma_start3A_305 : memref<1024xf32, #tpu.memory_space<hbm>>) target_semaphore(%arg10 : memref<!tpu.dma_semaphore, #tpu.memory_space<semaphore_mem>>)
    %add3A_308 = arith.constant 1 : i32
    %add3A_309 = arith.addi %mul3A_2, %add3A_308 : i32
    %dma_start3A_310 = arith.constant 12 : i32
    %dma_start3A_311 = arith.constant 12288 : i32
    %dma_start3A_312 = tpu.memref_slice %arg9[%dma_start3A_311] : memref<16384xf32, #tpu.memory_space<vmem>> -> memref<1024xf32, #tpu.memory_space<vmem>>
    %dma_start3A_313 = arith.constant 0 : i32
    %dma_start3A_314 = tpu.memref_slice %arg4[%dma_start3A_310, %add3A_309, %dma_start3A_313] : memref<16x64x1024xf32, #tpu.memory_space<hbm>> -> memref<1x1x1024xf32, #tpu.memory_space<hbm>>
    %dma_start3A_315 = tpu.memref_squeeze %dma_start3A_314 : memref<1x1x1024xf32, #tpu.memory_space<hbm>> -> memref<1024xf32, #tpu.memory_space<hbm>>
    %dma_start3A_316 = arith.constant 0 : i32
    %dma_start3A_317 = tpu.memref_slice %arg4[%dma_start3A_310, %add3A_309, %dma_start3A_316] : memref<16x64x1024xf32, #tpu.memory_space<hbm>> -> memref<1x1x1024xf32, #tpu.memory_space<hbm>>
    %dma_start3A_318 = tpu.memref_squeeze %dma_start3A_317 : memref<1x1x1024xf32, #tpu.memory_space<hbm>> -> memref<1024xf32, #tpu.memory_space<hbm>>
    %dma_start3A_319 = arith.constant 12288 : i32
    %dma_start3A_320 = tpu.memref_slice %arg9[%dma_start3A_319] : memref<16384xf32, #tpu.memory_space<vmem>> -> memref<1024xf32, #tpu.memory_space<vmem>>
    tpu.enqueue_dma source(%dma_start3A_320 : memref<1024xf32, #tpu.memory_space<vmem>>) target(%dma_start3A_318 : memref<1024xf32, #tpu.memory_space<hbm>>) target_semaphore(%arg10 : memref<!tpu.dma_semaphore, #tpu.memory_space<semaphore_mem>>)
    %dma_start3A_321 = arith.constant 13 : i32
    %dma_start3A_322 = arith.constant 13312 : i32
    %dma_start3A_323 = tpu.memref_slice %arg8[%dma_start3A_322] : memref<16384xf32, #tpu.memory_space<vmem>> -> memref<1024xf32, #tpu.memory_space<vmem>>
    %dma_start3A_324 = arith.constant 0 : i32
    %dma_start3A_325 = tpu.memref_slice %arg4[%dma_start3A_321, %mul3A_2, %dma_start3A_324] : memref<16x64x1024xf32, #tpu.memory_space<hbm>> -> memref<1x1x1024xf32, #tpu.memory_space<hbm>>
    %dma_start3A_326 = tpu.memref_squeeze %dma_start3A_325 : memref<1x1x1024xf32, #tpu.memory_space<hbm>> -> memref<1024xf32, #tpu.memory_space<hbm>>
    %dma_start3A_327 = arith.constant 0 : i32
    %dma_start3A_328 = tpu.memref_slice %arg4[%dma_start3A_321, %mul3A_2, %dma_start3A_327] : memref<16x64x1024xf32, #tpu.memory_space<hbm>> -> memref<1x1x1024xf32, #tpu.memory_space<hbm>>
    %dma_start3A_329 = tpu.memref_squeeze %dma_start3A_328 : memref<1x1x1024xf32, #tpu.memory_space<hbm>> -> memref<1024xf32, #tpu.memory_space<hbm>>
    %dma_start3A_330 = arith.constant 13312 : i32
    %dma_start3A_331 = tpu.memref_slice %arg8[%dma_start3A_330] : memref<16384xf32, #tpu.memory_space<vmem>> -> memref<1024xf32, #tpu.memory_space<vmem>>
    tpu.enqueue_dma source(%dma_start3A_331 : memref<1024xf32, #tpu.memory_space<vmem>>) target(%dma_start3A_329 : memref<1024xf32, #tpu.memory_space<hbm>>) target_semaphore(%arg10 : memref<!tpu.dma_semaphore, #tpu.memory_space<semaphore_mem>>)
    %add3A_332 = arith.constant 1 : i32
    %add3A_333 = arith.addi %mul3A_2, %add3A_332 : i32
    %dma_start3A_334 = arith.constant 13 : i32
    %dma_start3A_335 = arith.constant 13312 : i32
    %dma_start3A_336 = tpu.memref_slice %arg9[%dma_start3A_335] : memref<16384xf32, #tpu.memory_space<vmem>> -> memref<1024xf32, #tpu.memory_space<vmem>>
    %dma_start3A_337 = arith.constant 0 : i32
    %dma_start3A_338 = tpu.memref_slice %arg4[%dma_start3A_334, %add3A_333, %dma_start3A_337] : memref<16x64x1024xf32, #tpu.memory_space<hbm>> -> memref<1x1x1024xf32, #tpu.memory_space<hbm>>
    %dma_start3A_339 = tpu.memref_squeeze %dma_start3A_338 : memref<1x1x1024xf32, #tpu.memory_space<hbm>> -> memref<1024xf32, #tpu.memory_space<hbm>>
    %dma_start3A_340 = arith.constant 0 : i32
    %dma_start3A_341 = tpu.memref_slice %arg4[%dma_start3A_334, %add3A_333, %dma_start3A_340] : memref<16x64x1024xf32, #tpu.memory_space<hbm>> -> memref<1x1x1024xf32, #tpu.memory_space<hbm>>
    %dma_start3A_342 = tpu.memref_squeeze %dma_start3A_341 : memref<1x1x1024xf32, #tpu.memory_space<hbm>> -> memref<1024xf32, #tpu.memory_space<hbm>>
    %dma_start3A_343 = arith.constant 13312 : i32
    %dma_start3A_344 = tpu.memref_slice %arg9[%dma_start3A_343] : memref<16384xf32, #tpu.memory_space<vmem>> -> memref<1024xf32, #tpu.memory_space<vmem>>
    tpu.enqueue_dma source(%dma_start3A_344 : memref<1024xf32, #tpu.memory_space<vmem>>) target(%dma_start3A_342 : memref<1024xf32, #tpu.memory_space<hbm>>) target_semaphore(%arg10 : memref<!tpu.dma_semaphore, #tpu.memory_space<semaphore_mem>>)
    %dma_start3A_345 = arith.constant 14 : i32
    %dma_start3A_346 = arith.constant 14336 : i32
    %dma_start3A_347 = tpu.memref_slice %arg8[%dma_start3A_346] : memref<16384xf32, #tpu.memory_space<vmem>> -> memref<1024xf32, #tpu.memory_space<vmem>>
    %dma_start3A_348 = arith.constant 0 : i32
    %dma_start3A_349 = tpu.memref_slice %arg4[%dma_start3A_345, %mul3A_2, %dma_start3A_348] : memref<16x64x1024xf32, #tpu.memory_space<hbm>> -> memref<1x1x1024xf32, #tpu.memory_space<hbm>>
    %dma_start3A_350 = tpu.memref_squeeze %dma_start3A_349 : memref<1x1x1024xf32, #tpu.memory_space<hbm>> -> memref<1024xf32, #tpu.memory_space<hbm>>
    %dma_start3A_351 = arith.constant 0 : i32
    %dma_start3A_352 = tpu.memref_slice %arg4[%dma_start3A_345, %mul3A_2, %dma_start3A_351] : memref<16x64x1024xf32, #tpu.memory_space<hbm>> -> memref<1x1x1024xf32, #tpu.memory_space<hbm>>
    %dma_start3A_353 = tpu.memref_squeeze %dma_start3A_352 : memref<1x1x1024xf32, #tpu.memory_space<hbm>> -> memref<1024xf32, #tpu.memory_space<hbm>>
    %dma_start3A_354 = arith.constant 14336 : i32
    %dma_start3A_355 = tpu.memref_slice %arg8[%dma_start3A_354] : memref<16384xf32, #tpu.memory_space<vmem>> -> memref<1024xf32, #tpu.memory_space<vmem>>
    tpu.enqueue_dma source(%dma_start3A_355 : memref<1024xf32, #tpu.memory_space<vmem>>) target(%dma_start3A_353 : memref<1024xf32, #tpu.memory_space<hbm>>) target_semaphore(%arg10 : memref<!tpu.dma_semaphore, #tpu.memory_space<semaphore_mem>>)
    %add3A_356 = arith.constant 1 : i32
    %add3A_357 = arith.addi %mul3A_2, %add3A_356 : i32
    %dma_start3A_358 = arith.constant 14 : i32
    %dma_start3A_359 = arith.constant 14336 : i32
    %dma_start3A_360 = tpu.memref_slice %arg9[%dma_start3A_359] : memref<16384xf32, #tpu.memory_space<vmem>> -> memref<1024xf32, #tpu.memory_space<vmem>>
    %dma_start3A_361 = arith.constant 0 : i32
    %dma_start3A_362 = tpu.memref_slice %arg4[%dma_start3A_358, %add3A_357, %dma_start3A_361] : memref<16x64x1024xf32, #tpu.memory_space<hbm>> -> memref<1x1x1024xf32, #tpu.memory_space<hbm>>
    %dma_start3A_363 = tpu.memref_squeeze %dma_start3A_362 : memref<1x1x1024xf32, #tpu.memory_space<hbm>> -> memref<1024xf32, #tpu.memory_space<hbm>>
    %dma_start3A_364 = arith.constant 0 : i32
    %dma_start3A_365 = tpu.memref_slice %arg4[%dma_start3A_358, %add3A_357, %dma_start3A_364] : memref<16x64x1024xf32, #tpu.memory_space<hbm>> -> memref<1x1x1024xf32, #tpu.memory_space<hbm>>
    %dma_start3A_366 = tpu.memref_squeeze %dma_start3A_365 : memref<1x1x1024xf32, #tpu.memory_space<hbm>> -> memref<1024xf32, #tpu.memory_space<hbm>>
    %dma_start3A_367 = arith.constant 14336 : i32
    %dma_start3A_368 = tpu.memref_slice %arg9[%dma_start3A_367] : memref<16384xf32, #tpu.memory_space<vmem>> -> memref<1024xf32, #tpu.memory_space<vmem>>
    tpu.enqueue_dma source(%dma_start3A_368 : memref<1024xf32, #tpu.memory_space<vmem>>) target(%dma_start3A_366 : memref<1024xf32, #tpu.memory_space<hbm>>) target_semaphore(%arg10 : memref<!tpu.dma_semaphore, #tpu.memory_space<semaphore_mem>>)
    %dma_start3A_369 = arith.constant 15 : i32
    %dma_start3A_370 = arith.constant 15360 : i32
    %dma_start3A_371 = tpu.memref_slice %arg8[%dma_start3A_370] : memref<16384xf32, #tpu.memory_space<vmem>> -> memref<1024xf32, #tpu.memory_space<vmem>>
    %dma_start3A_372 = arith.constant 0 : i32
    %dma_start3A_373 = tpu.memref_slice %arg4[%dma_start3A_369, %mul3A_2, %dma_start3A_372] : memref<16x64x1024xf32, #tpu.memory_space<hbm>> -> memref<1x1x1024xf32, #tpu.memory_space<hbm>>
    %dma_start3A_374 = tpu.memref_squeeze %dma_start3A_373 : memref<1x1x1024xf32, #tpu.memory_space<hbm>> -> memref<1024xf32, #tpu.memory_space<hbm>>
    %dma_start3A_375 = arith.constant 0 : i32
    %dma_start3A_376 = tpu.memref_slice %arg4[%dma_start3A_369, %mul3A_2, %dma_start3A_375] : memref<16x64x1024xf32, #tpu.memory_space<hbm>> -> memref<1x1x1024xf32, #tpu.memory_space<hbm>>
    %dma_start3A_377 = tpu.memref_squeeze %dma_start3A_376 : memref<1x1x1024xf32, #tpu.memory_space<hbm>> -> memref<1024xf32, #tpu.memory_space<hbm>>
    %dma_start3A_378 = arith.constant 15360 : i32
    %dma_start3A_379 = tpu.memref_slice %arg8[%dma_start3A_378] : memref<16384xf32, #tpu.memory_space<vmem>> -> memref<1024xf32, #tpu.memory_space<vmem>>
    tpu.enqueue_dma source(%dma_start3A_379 : memref<1024xf32, #tpu.memory_space<vmem>>) target(%dma_start3A_377 : memref<1024xf32, #tpu.memory_space<hbm>>) target_semaphore(%arg10 : memref<!tpu.dma_semaphore, #tpu.memory_space<semaphore_mem>>)
    %add3A_380 = arith.constant 1 : i32
    %add3A_381 = arith.addi %mul3A_2, %add3A_380 : i32
    %dma_start3A_382 = arith.constant 15 : i32
    %dma_start3A_383 = arith.constant 15360 : i32
    %dma_start3A_384 = tpu.memref_slice %arg9[%dma_start3A_383] : memref<16384xf32, #tpu.memory_space<vmem>> -> memref<1024xf32, #tpu.memory_space<vmem>>
    %dma_start3A_385 = arith.constant 0 : i32
    %dma_start3A_386 = tpu.memref_slice %arg4[%dma_start3A_382, %add3A_381, %dma_start3A_385] : memref<16x64x1024xf32, #tpu.memory_space<hbm>> -> memref<1x1x1024xf32, #tpu.memory_space<hbm>>
    %dma_start3A_387 = tpu.memref_squeeze %dma_start3A_386 : memref<1x1x1024xf32, #tpu.memory_space<hbm>> -> memref<1024xf32, #tpu.memory_space<hbm>>
    %dma_start3A_388 = arith.constant 0 : i32
    %dma_start3A_389 = tpu.memref_slice %arg4[%dma_start3A_382, %add3A_381, %dma_start3A_388] : memref<16x64x1024xf32, #tpu.memory_space<hbm>> -> memref<1x1x1024xf32, #tpu.memory_space<hbm>>
    %dma_start3A_390 = tpu.memref_squeeze %dma_start3A_389 : memref<1x1x1024xf32, #tpu.memory_space<hbm>> -> memref<1024xf32, #tpu.memory_space<hbm>>
    %dma_start3A_391 = arith.constant 15360 : i32
    %dma_start3A_392 = tpu.memref_slice %arg9[%dma_start3A_391] : memref<16384xf32, #tpu.memory_space<vmem>> -> memref<1024xf32, #tpu.memory_space<vmem>>
    tpu.enqueue_dma source(%dma_start3A_392 : memref<1024xf32, #tpu.memory_space<vmem>>) target(%dma_start3A_390 : memref<1024xf32, #tpu.memory_space<hbm>>) target_semaphore(%arg10 : memref<!tpu.dma_semaphore, #tpu.memory_space<semaphore_mem>>)
    %dma_wait3A = arith.constant 0 : i32
    %dma_wait3A_393 = arith.constant 0 : i32
    %dma_wait3A_394 = tpu.memref_slice %arg8[%dma_wait3A_393] : memref<16384xf32, #tpu.memory_space<vmem>> -> memref<1024xf32, #tpu.memory_space<vmem>>
    %dma_wait3A_395 = arith.constant 0 : i32
    %dma_wait3A_396 = tpu.memref_slice %arg4[%dma_wait3A, %mul3A_2, %dma_wait3A_395] : memref<16x64x1024xf32, #tpu.memory_space<hbm>> -> memref<1x1x1024xf32, #tpu.memory_space<hbm>>
    %dma_wait3A_397 = tpu.memref_squeeze %dma_wait3A_396 : memref<1x1x1024xf32, #tpu.memory_space<hbm>> -> memref<1024xf32, #tpu.memory_space<hbm>>
    %dma_wait3A_398 = arith.constant 0 : i32
    %dma_wait3A_399 = tpu.memref_slice %arg4[%dma_wait3A, %mul3A_2, %dma_wait3A_398] : memref<16x64x1024xf32, #tpu.memory_space<hbm>> -> memref<1x1x1024xf32, #tpu.memory_space<hbm>>
    %dma_wait3A_400 = tpu.memref_squeeze %dma_wait3A_399 : memref<1x1x1024xf32, #tpu.memory_space<hbm>> -> memref<1024xf32, #tpu.memory_space<hbm>>
    %dma_wait3A_401 = arith.constant 0 : i32
    %dma_wait3A_402 = tpu.memref_slice %arg8[%dma_wait3A_401] : memref<16384xf32, #tpu.memory_space<vmem>> -> memref<1024xf32, #tpu.memory_space<vmem>>
    tpu.wait_dma2 semaphore(%arg10 : memref<!tpu.dma_semaphore, #tpu.memory_space<semaphore_mem>>) src(%dma_wait3A_402 : memref<1024xf32, #tpu.memory_space<vmem>>) dst(%dma_wait3A_400 : memref<1024xf32, #tpu.memory_space<hbm>>)
    %dma_wait3A_403 = arith.constant 0 : i32
    %dma_wait3A_404 = arith.constant 0 : i32
    %dma_wait3A_405 = tpu.memref_slice %arg9[%dma_wait3A_404] : memref<16384xf32, #tpu.memory_space<vmem>> -> memref<1024xf32, #tpu.memory_space<vmem>>
    %dma_wait3A_406 = arith.constant 0 : i32
    %dma_wait3A_407 = tpu.memref_slice %arg4[%dma_wait3A_403, %add3A_21, %dma_wait3A_406] : memref<16x64x1024xf32, #tpu.memory_space<hbm>> -> memref<1x1x1024xf32, #tpu.memory_space<hbm>>
    %dma_wait3A_408 = tpu.memref_squeeze %dma_wait3A_407 : memref<1x1x1024xf32, #tpu.memory_space<hbm>> -> memref<1024xf32, #tpu.memory_space<hbm>>
    %dma_wait3A_409 = arith.constant 0 : i32
    %dma_wait3A_410 = tpu.memref_slice %arg4[%dma_wait3A_403, %add3A_21, %dma_wait3A_409] : memref<16x64x1024xf32, #tpu.memory_space<hbm>> -> memref<1x1x1024xf32, #tpu.memory_space<hbm>>
    %dma_wait3A_411 = tpu.memref_squeeze %dma_wait3A_410 : memref<1x1x1024xf32, #tpu.memory_space<hbm>> -> memref<1024xf32, #tpu.memory_space<hbm>>
    %dma_wait3A_412 = arith.constant 0 : i32
    %dma_wait3A_413 = tpu.memref_slice %arg9[%dma_wait3A_412] : memref<16384xf32, #tpu.memory_space<vmem>> -> memref<1024xf32, #tpu.memory_space<vmem>>
    tpu.wait_dma2 semaphore(%arg10 : memref<!tpu.dma_semaphore, #tpu.memory_space<semaphore_mem>>) src(%dma_wait3A_413 : memref<1024xf32, #tpu.memory_space<vmem>>) dst(%dma_wait3A_411 : memref<1024xf32, #tpu.memory_space<hbm>>)
    %dma_wait3A_414 = arith.constant 1 : i32
    %dma_wait3A_415 = arith.constant 1024 : i32
    %dma_wait3A_416 = tpu.memref_slice %arg8[%dma_wait3A_415] : memref<16384xf32, #tpu.memory_space<vmem>> -> memref<1024xf32, #tpu.memory_space<vmem>>
    %dma_wait3A_417 = arith.constant 0 : i32
    %dma_wait3A_418 = tpu.memref_slice %arg4[%dma_wait3A_414, %mul3A_2, %dma_wait3A_417] : memref<16x64x1024xf32, #tpu.memory_space<hbm>> -> memref<1x1x1024xf32, #tpu.memory_space<hbm>>
    %dma_wait3A_419 = tpu.memref_squeeze %dma_wait3A_418 : memref<1x1x1024xf32, #tpu.memory_space<hbm>> -> memref<1024xf32, #tpu.memory_space<hbm>>
    %dma_wait3A_420 = arith.constant 0 : i32
    %dma_wait3A_421 = tpu.memref_slice %arg4[%dma_wait3A_414, %mul3A_2, %dma_wait3A_420] : memref<16x64x1024xf32, #tpu.memory_space<hbm>> -> memref<1x1x1024xf32, #tpu.memory_space<hbm>>
    %dma_wait3A_422 = tpu.memref_squeeze %dma_wait3A_421 : memref<1x1x1024xf32, #tpu.memory_space<hbm>> -> memref<1024xf32, #tpu.memory_space<hbm>>
    %dma_wait3A_423 = arith.constant 1024 : i32
    %dma_wait3A_424 = tpu.memref_slice %arg8[%dma_wait3A_423] : memref<16384xf32, #tpu.memory_space<vmem>> -> memref<1024xf32, #tpu.memory_space<vmem>>
    tpu.wait_dma2 semaphore(%arg10 : memref<!tpu.dma_semaphore, #tpu.memory_space<semaphore_mem>>) src(%dma_wait3A_424 : memref<1024xf32, #tpu.memory_space<vmem>>) dst(%dma_wait3A_422 : memref<1024xf32, #tpu.memory_space<hbm>>)
    %dma_wait3A_425 = arith.constant 1 : i32
    %dma_wait3A_426 = arith.constant 1024 : i32
    %dma_wait3A_427 = tpu.memref_slice %arg9[%dma_wait3A_426] : memref<16384xf32, #tpu.memory_space<vmem>> -> memref<1024xf32, #tpu.memory_space<vmem>>
    %dma_wait3A_428 = arith.constant 0 : i32
    %dma_wait3A_429 = tpu.memref_slice %arg4[%dma_wait3A_425, %add3A_45, %dma_wait3A_428] : memref<16x64x1024xf32, #tpu.memory_space<hbm>> -> memref<1x1x1024xf32, #tpu.memory_space<hbm>>
    %dma_wait3A_430 = tpu.memref_squeeze %dma_wait3A_429 : memref<1x1x1024xf32, #tpu.memory_space<hbm>> -> memref<1024xf32, #tpu.memory_space<hbm>>
    %dma_wait3A_431 = arith.constant 0 : i32
    %dma_wait3A_432 = tpu.memref_slice %arg4[%dma_wait3A_425, %add3A_45, %dma_wait3A_431] : memref<16x64x1024xf32, #tpu.memory_space<hbm>> -> memref<1x1x1024xf32, #tpu.memory_space<hbm>>
    %dma_wait3A_433 = tpu.memref_squeeze %dma_wait3A_432 : memref<1x1x1024xf32, #tpu.memory_space<hbm>> -> memref<1024xf32, #tpu.memory_space<hbm>>
    %dma_wait3A_434 = arith.constant 1024 : i32
    %dma_wait3A_435 = tpu.memref_slice %arg9[%dma_wait3A_434] : memref<16384xf32, #tpu.memory_space<vmem>> -> memref<1024xf32, #tpu.memory_space<vmem>>
    tpu.wait_dma2 semaphore(%arg10 : memref<!tpu.dma_semaphore, #tpu.memory_space<semaphore_mem>>) src(%dma_wait3A_435 : memref<1024xf32, #tpu.memory_space<vmem>>) dst(%dma_wait3A_433 : memref<1024xf32, #tpu.memory_space<hbm>>)
    %dma_wait3A_436 = arith.constant 2 : i32
    %dma_wait3A_437 = arith.constant 2048 : i32
    %dma_wait3A_438 = tpu.memref_slice %arg8[%dma_wait3A_437] : memref<16384xf32, #tpu.memory_space<vmem>> -> memref<1024xf32, #tpu.memory_space<vmem>>
    %dma_wait3A_439 = arith.constant 0 : i32
    %dma_wait3A_440 = tpu.memref_slice %arg4[%dma_wait3A_436, %mul3A_2, %dma_wait3A_439] : memref<16x64x1024xf32, #tpu.memory_space<hbm>> -> memref<1x1x1024xf32, #tpu.memory_space<hbm>>
    %dma_wait3A_441 = tpu.memref_squeeze %dma_wait3A_440 : memref<1x1x1024xf32, #tpu.memory_space<hbm>> -> memref<1024xf32, #tpu.memory_space<hbm>>
    %dma_wait3A_442 = arith.constant 0 : i32
    %dma_wait3A_443 = tpu.memref_slice %arg4[%dma_wait3A_436, %mul3A_2, %dma_wait3A_442] : memref<16x64x1024xf32, #tpu.memory_space<hbm>> -> memref<1x1x1024xf32, #tpu.memory_space<hbm>>
    %dma_wait3A_444 = tpu.memref_squeeze %dma_wait3A_443 : memref<1x1x1024xf32, #tpu.memory_space<hbm>> -> memref<1024xf32, #tpu.memory_space<hbm>>
    %dma_wait3A_445 = arith.constant 2048 : i32
    %dma_wait3A_446 = tpu.memref_slice %arg8[%dma_wait3A_445] : memref<16384xf32, #tpu.memory_space<vmem>> -> memref<1024xf32, #tpu.memory_space<vmem>>
    tpu.wait_dma2 semaphore(%arg10 : memref<!tpu.dma_semaphore, #tpu.memory_space<semaphore_mem>>) src(%dma_wait3A_446 : memref<1024xf32, #tpu.memory_space<vmem>>) dst(%dma_wait3A_444 : memref<1024xf32, #tpu.memory_space<hbm>>)
    %dma_wait3A_447 = arith.constant 2 : i32
    %dma_wait3A_448 = arith.constant 2048 : i32
    %dma_wait3A_449 = tpu.memref_slice %arg9[%dma_wait3A_448] : memref<16384xf32, #tpu.memory_space<vmem>> -> memref<1024xf32, #tpu.memory_space<vmem>>
    %dma_wait3A_450 = arith.constant 0 : i32
    %dma_wait3A_451 = tpu.memref_slice %arg4[%dma_wait3A_447, %add3A_69, %dma_wait3A_450] : memref<16x64x1024xf32, #tpu.memory_space<hbm>> -> memref<1x1x1024xf32, #tpu.memory_space<hbm>>
    %dma_wait3A_452 = tpu.memref_squeeze %dma_wait3A_451 : memref<1x1x1024xf32, #tpu.memory_space<hbm>> -> memref<1024xf32, #tpu.memory_space<hbm>>
    %dma_wait3A_453 = arith.constant 0 : i32
    %dma_wait3A_454 = tpu.memref_slice %arg4[%dma_wait3A_447, %add3A_69, %dma_wait3A_453] : memref<16x64x1024xf32, #tpu.memory_space<hbm>> -> memref<1x1x1024xf32, #tpu.memory_space<hbm>>
    %dma_wait3A_455 = tpu.memref_squeeze %dma_wait3A_454 : memref<1x1x1024xf32, #tpu.memory_space<hbm>> -> memref<1024xf32, #tpu.memory_space<hbm>>
    %dma_wait3A_456 = arith.constant 2048 : i32
    %dma_wait3A_457 = tpu.memref_slice %arg9[%dma_wait3A_456] : memref<16384xf32, #tpu.memory_space<vmem>> -> memref<1024xf32, #tpu.memory_space<vmem>>
    tpu.wait_dma2 semaphore(%arg10 : memref<!tpu.dma_semaphore, #tpu.memory_space<semaphore_mem>>) src(%dma_wait3A_457 : memref<1024xf32, #tpu.memory_space<vmem>>) dst(%dma_wait3A_455 : memref<1024xf32, #tpu.memory_space<hbm>>)
    %dma_wait3A_458 = arith.constant 3 : i32
    %dma_wait3A_459 = arith.constant 3072 : i32
    %dma_wait3A_460 = tpu.memref_slice %arg8[%dma_wait3A_459] : memref<16384xf32, #tpu.memory_space<vmem>> -> memref<1024xf32, #tpu.memory_space<vmem>>
    %dma_wait3A_461 = arith.constant 0 : i32
    %dma_wait3A_462 = tpu.memref_slice %arg4[%dma_wait3A_458, %mul3A_2, %dma_wait3A_461] : memref<16x64x1024xf32, #tpu.memory_space<hbm>> -> memref<1x1x1024xf32, #tpu.memory_space<hbm>>
    %dma_wait3A_463 = tpu.memref_squeeze %dma_wait3A_462 : memref<1x1x1024xf32, #tpu.memory_space<hbm>> -> memref<1024xf32, #tpu.memory_space<hbm>>
    %dma_wait3A_464 = arith.constant 0 : i32
    %dma_wait3A_465 = tpu.memref_slice %arg4[%dma_wait3A_458, %mul3A_2, %dma_wait3A_464] : memref<16x64x1024xf32, #tpu.memory_space<hbm>> -> memref<1x1x1024xf32, #tpu.memory_space<hbm>>
    %dma_wait3A_466 = tpu.memref_squeeze %dma_wait3A_465 : memref<1x1x1024xf32, #tpu.memory_space<hbm>> -> memref<1024xf32, #tpu.memory_space<hbm>>
    %dma_wait3A_467 = arith.constant 3072 : i32
    %dma_wait3A_468 = tpu.memref_slice %arg8[%dma_wait3A_467] : memref<16384xf32, #tpu.memory_space<vmem>> -> memref<1024xf32, #tpu.memory_space<vmem>>
    tpu.wait_dma2 semaphore(%arg10 : memref<!tpu.dma_semaphore, #tpu.memory_space<semaphore_mem>>) src(%dma_wait3A_468 : memref<1024xf32, #tpu.memory_space<vmem>>) dst(%dma_wait3A_466 : memref<1024xf32, #tpu.memory_space<hbm>>)
    %dma_wait3A_469 = arith.constant 3 : i32
    %dma_wait3A_470 = arith.constant 3072 : i32
    %dma_wait3A_471 = tpu.memref_slice %arg9[%dma_wait3A_470] : memref<16384xf32, #tpu.memory_space<vmem>> -> memref<1024xf32, #tpu.memory_space<vmem>>
    %dma_wait3A_472 = arith.constant 0 : i32
    %dma_wait3A_473 = tpu.memref_slice %arg4[%dma_wait3A_469, %add3A_93, %dma_wait3A_472] : memref<16x64x1024xf32, #tpu.memory_space<hbm>> -> memref<1x1x1024xf32, #tpu.memory_space<hbm>>
    %dma_wait3A_474 = tpu.memref_squeeze %dma_wait3A_473 : memref<1x1x1024xf32, #tpu.memory_space<hbm>> -> memref<1024xf32, #tpu.memory_space<hbm>>
    %dma_wait3A_475 = arith.constant 0 : i32
    %dma_wait3A_476 = tpu.memref_slice %arg4[%dma_wait3A_469, %add3A_93, %dma_wait3A_475] : memref<16x64x1024xf32, #tpu.memory_space<hbm>> -> memref<1x1x1024xf32, #tpu.memory_space<hbm>>
    %dma_wait3A_477 = tpu.memref_squeeze %dma_wait3A_476 : memref<1x1x1024xf32, #tpu.memory_space<hbm>> -> memref<1024xf32, #tpu.memory_space<hbm>>
    %dma_wait3A_478 = arith.constant 3072 : i32
    %dma_wait3A_479 = tpu.memref_slice %arg9[%dma_wait3A_478] : memref<16384xf32, #tpu.memory_space<vmem>> -> memref<1024xf32, #tpu.memory_space<vmem>>
    tpu.wait_dma2 semaphore(%arg10 : memref<!tpu.dma_semaphore, #tpu.memory_space<semaphore_mem>>) src(%dma_wait3A_479 : memref<1024xf32, #tpu.memory_space<vmem>>) dst(%dma_wait3A_477 : memref<1024xf32, #tpu.memory_space<hbm>>)
    %dma_wait3A_480 = arith.constant 4 : i32
    %dma_wait3A_481 = arith.constant 4096 : i32
    %dma_wait3A_482 = tpu.memref_slice %arg8[%dma_wait3A_481] : memref<16384xf32, #tpu.memory_space<vmem>> -> memref<1024xf32, #tpu.memory_space<vmem>>
    %dma_wait3A_483 = arith.constant 0 : i32
    %dma_wait3A_484 = tpu.memref_slice %arg4[%dma_wait3A_480, %mul3A_2, %dma_wait3A_483] : memref<16x64x1024xf32, #tpu.memory_space<hbm>> -> memref<1x1x1024xf32, #tpu.memory_space<hbm>>
    %dma_wait3A_485 = tpu.memref_squeeze %dma_wait3A_484 : memref<1x1x1024xf32, #tpu.memory_space<hbm>> -> memref<1024xf32, #tpu.memory_space<hbm>>
    %dma_wait3A_486 = arith.constant 0 : i32
    %dma_wait3A_487 = tpu.memref_slice %arg4[%dma_wait3A_480, %mul3A_2, %dma_wait3A_486] : memref<16x64x1024xf32, #tpu.memory_space<hbm>> -> memref<1x1x1024xf32, #tpu.memory_space<hbm>>
    %dma_wait3A_488 = tpu.memref_squeeze %dma_wait3A_487 : memref<1x1x1024xf32, #tpu.memory_space<hbm>> -> memref<1024xf32, #tpu.memory_space<hbm>>
    %dma_wait3A_489 = arith.constant 4096 : i32
    %dma_wait3A_490 = tpu.memref_slice %arg8[%dma_wait3A_489] : memref<16384xf32, #tpu.memory_space<vmem>> -> memref<1024xf32, #tpu.memory_space<vmem>>
    tpu.wait_dma2 semaphore(%arg10 : memref<!tpu.dma_semaphore, #tpu.memory_space<semaphore_mem>>) src(%dma_wait3A_490 : memref<1024xf32, #tpu.memory_space<vmem>>) dst(%dma_wait3A_488 : memref<1024xf32, #tpu.memory_space<hbm>>)
    %dma_wait3A_491 = arith.constant 4 : i32
    %dma_wait3A_492 = arith.constant 4096 : i32
    %dma_wait3A_493 = tpu.memref_slice %arg9[%dma_wait3A_492] : memref<16384xf32, #tpu.memory_space<vmem>> -> memref<1024xf32, #tpu.memory_space<vmem>>
    %dma_wait3A_494 = arith.constant 0 : i32
    %dma_wait3A_495 = tpu.memref_slice %arg4[%dma_wait3A_491, %add3A_117, %dma_wait3A_494] : memref<16x64x1024xf32, #tpu.memory_space<hbm>> -> memref<1x1x1024xf32, #tpu.memory_space<hbm>>
    %dma_wait3A_496 = tpu.memref_squeeze %dma_wait3A_495 : memref<1x1x1024xf32, #tpu.memory_space<hbm>> -> memref<1024xf32, #tpu.memory_space<hbm>>
    %dma_wait3A_497 = arith.constant 0 : i32
    %dma_wait3A_498 = tpu.memref_slice %arg4[%dma_wait3A_491, %add3A_117, %dma_wait3A_497] : memref<16x64x1024xf32, #tpu.memory_space<hbm>> -> memref<1x1x1024xf32, #tpu.memory_space<hbm>>
    %dma_wait3A_499 = tpu.memref_squeeze %dma_wait3A_498 : memref<1x1x1024xf32, #tpu.memory_space<hbm>> -> memref<1024xf32, #tpu.memory_space<hbm>>
    %dma_wait3A_500 = arith.constant 4096 : i32
    %dma_wait3A_501 = tpu.memref_slice %arg9[%dma_wait3A_500] : memref<16384xf32, #tpu.memory_space<vmem>> -> memref<1024xf32, #tpu.memory_space<vmem>>
    tpu.wait_dma2 semaphore(%arg10 : memref<!tpu.dma_semaphore, #tpu.memory_space<semaphore_mem>>) src(%dma_wait3A_501 : memref<1024xf32, #tpu.memory_space<vmem>>) dst(%dma_wait3A_499 : memref<1024xf32, #tpu.memory_space<hbm>>)
    %dma_wait3A_502 = arith.constant 5 : i32
    %dma_wait3A_503 = arith.constant 5120 : i32
    %dma_wait3A_504 = tpu.memref_slice %arg8[%dma_wait3A_503] : memref<16384xf32, #tpu.memory_space<vmem>> -> memref<1024xf32, #tpu.memory_space<vmem>>
    %dma_wait3A_505 = arith.constant 0 : i32
    %dma_wait3A_506 = tpu.memref_slice %arg4[%dma_wait3A_502, %mul3A_2, %dma_wait3A_505] : memref<16x64x1024xf32, #tpu.memory_space<hbm>> -> memref<1x1x1024xf32, #tpu.memory_space<hbm>>
    %dma_wait3A_507 = tpu.memref_squeeze %dma_wait3A_506 : memref<1x1x1024xf32, #tpu.memory_space<hbm>> -> memref<1024xf32, #tpu.memory_space<hbm>>
    %dma_wait3A_508 = arith.constant 0 : i32
    %dma_wait3A_509 = tpu.memref_slice %arg4[%dma_wait3A_502, %mul3A_2, %dma_wait3A_508] : memref<16x64x1024xf32, #tpu.memory_space<hbm>> -> memref<1x1x1024xf32, #tpu.memory_space<hbm>>
    %dma_wait3A_510 = tpu.memref_squeeze %dma_wait3A_509 : memref<1x1x1024xf32, #tpu.memory_space<hbm>> -> memref<1024xf32, #tpu.memory_space<hbm>>
    %dma_wait3A_511 = arith.constant 5120 : i32
    %dma_wait3A_512 = tpu.memref_slice %arg8[%dma_wait3A_511] : memref<16384xf32, #tpu.memory_space<vmem>> -> memref<1024xf32, #tpu.memory_space<vmem>>
    tpu.wait_dma2 semaphore(%arg10 : memref<!tpu.dma_semaphore, #tpu.memory_space<semaphore_mem>>) src(%dma_wait3A_512 : memref<1024xf32, #tpu.memory_space<vmem>>) dst(%dma_wait3A_510 : memref<1024xf32, #tpu.memory_space<hbm>>)
    %dma_wait3A_513 = arith.constant 5 : i32
    %dma_wait3A_514 = arith.constant 5120 : i32
    %dma_wait3A_515 = tpu.memref_slice %arg9[%dma_wait3A_514] : memref<16384xf32, #tpu.memory_space<vmem>> -> memref<1024xf32, #tpu.memory_space<vmem>>
    %dma_wait3A_516 = arith.constant 0 : i32
    %dma_wait3A_517 = tpu.memref_slice %arg4[%dma_wait3A_513, %add3A_141, %dma_wait3A_516] : memref<16x64x1024xf32, #tpu.memory_space<hbm>> -> memref<1x1x1024xf32, #tpu.memory_space<hbm>>
    %dma_wait3A_518 = tpu.memref_squeeze %dma_wait3A_517 : memref<1x1x1024xf32, #tpu.memory_space<hbm>> -> memref<1024xf32, #tpu.memory_space<hbm>>
    %dma_wait3A_519 = arith.constant 0 : i32
    %dma_wait3A_520 = tpu.memref_slice %arg4[%dma_wait3A_513, %add3A_141, %dma_wait3A_519] : memref<16x64x1024xf32, #tpu.memory_space<hbm>> -> memref<1x1x1024xf32, #tpu.memory_space<hbm>>
    %dma_wait3A_521 = tpu.memref_squeeze %dma_wait3A_520 : memref<1x1x1024xf32, #tpu.memory_space<hbm>> -> memref<1024xf32, #tpu.memory_space<hbm>>
    %dma_wait3A_522 = arith.constant 5120 : i32
    %dma_wait3A_523 = tpu.memref_slice %arg9[%dma_wait3A_522] : memref<16384xf32, #tpu.memory_space<vmem>> -> memref<1024xf32, #tpu.memory_space<vmem>>
    tpu.wait_dma2 semaphore(%arg10 : memref<!tpu.dma_semaphore, #tpu.memory_space<semaphore_mem>>) src(%dma_wait3A_523 : memref<1024xf32, #tpu.memory_space<vmem>>) dst(%dma_wait3A_521 : memref<1024xf32, #tpu.memory_space<hbm>>)
    %dma_wait3A_524 = arith.constant 6 : i32
    %dma_wait3A_525 = arith.constant 6144 : i32
    %dma_wait3A_526 = tpu.memref_slice %arg8[%dma_wait3A_525] : memref<16384xf32, #tpu.memory_space<vmem>> -> memref<1024xf32, #tpu.memory_space<vmem>>
    %dma_wait3A_527 = arith.constant 0 : i32
    %dma_wait3A_528 = tpu.memref_slice %arg4[%dma_wait3A_524, %mul3A_2, %dma_wait3A_527] : memref<16x64x1024xf32, #tpu.memory_space<hbm>> -> memref<1x1x1024xf32, #tpu.memory_space<hbm>>
    %dma_wait3A_529 = tpu.memref_squeeze %dma_wait3A_528 : memref<1x1x1024xf32, #tpu.memory_space<hbm>> -> memref<1024xf32, #tpu.memory_space<hbm>>
    %dma_wait3A_530 = arith.constant 0 : i32
    %dma_wait3A_531 = tpu.memref_slice %arg4[%dma_wait3A_524, %mul3A_2, %dma_wait3A_530] : memref<16x64x1024xf32, #tpu.memory_space<hbm>> -> memref<1x1x1024xf32, #tpu.memory_space<hbm>>
    %dma_wait3A_532 = tpu.memref_squeeze %dma_wait3A_531 : memref<1x1x1024xf32, #tpu.memory_space<hbm>> -> memref<1024xf32, #tpu.memory_space<hbm>>
    %dma_wait3A_533 = arith.constant 6144 : i32
    %dma_wait3A_534 = tpu.memref_slice %arg8[%dma_wait3A_533] : memref<16384xf32, #tpu.memory_space<vmem>> -> memref<1024xf32, #tpu.memory_space<vmem>>
    tpu.wait_dma2 semaphore(%arg10 : memref<!tpu.dma_semaphore, #tpu.memory_space<semaphore_mem>>) src(%dma_wait3A_534 : memref<1024xf32, #tpu.memory_space<vmem>>) dst(%dma_wait3A_532 : memref<1024xf32, #tpu.memory_space<hbm>>)
    %dma_wait3A_535 = arith.constant 6 : i32
    %dma_wait3A_536 = arith.constant 6144 : i32
    %dma_wait3A_537 = tpu.memref_slice %arg9[%dma_wait3A_536] : memref<16384xf32, #tpu.memory_space<vmem>> -> memref<1024xf32, #tpu.memory_space<vmem>>
    %dma_wait3A_538 = arith.constant 0 : i32
    %dma_wait3A_539 = tpu.memref_slice %arg4[%dma_wait3A_535, %add3A_165, %dma_wait3A_538] : memref<16x64x1024xf32, #tpu.memory_space<hbm>> -> memref<1x1x1024xf32, #tpu.memory_space<hbm>>
    %dma_wait3A_540 = tpu.memref_squeeze %dma_wait3A_539 : memref<1x1x1024xf32, #tpu.memory_space<hbm>> -> memref<1024xf32, #tpu.memory_space<hbm>>
    %dma_wait3A_541 = arith.constant 0 : i32
    %dma_wait3A_542 = tpu.memref_slice %arg4[%dma_wait3A_535, %add3A_165, %dma_wait3A_541] : memref<16x64x1024xf32, #tpu.memory_space<hbm>> -> memref<1x1x1024xf32, #tpu.memory_space<hbm>>
    %dma_wait3A_543 = tpu.memref_squeeze %dma_wait3A_542 : memref<1x1x1024xf32, #tpu.memory_space<hbm>> -> memref<1024xf32, #tpu.memory_space<hbm>>
    %dma_wait3A_544 = arith.constant 6144 : i32
    %dma_wait3A_545 = tpu.memref_slice %arg9[%dma_wait3A_544] : memref<16384xf32, #tpu.memory_space<vmem>> -> memref<1024xf32, #tpu.memory_space<vmem>>
    tpu.wait_dma2 semaphore(%arg10 : memref<!tpu.dma_semaphore, #tpu.memory_space<semaphore_mem>>) src(%dma_wait3A_545 : memref<1024xf32, #tpu.memory_space<vmem>>) dst(%dma_wait3A_543 : memref<1024xf32, #tpu.memory_space<hbm>>)
    %dma_wait3A_546 = arith.constant 7 : i32
    %dma_wait3A_547 = arith.constant 7168 : i32
    %dma_wait3A_548 = tpu.memref_slice %arg8[%dma_wait3A_547] : memref<16384xf32, #tpu.memory_space<vmem>> -> memref<1024xf32, #tpu.memory_space<vmem>>
    %dma_wait3A_549 = arith.constant 0 : i32
    %dma_wait3A_550 = tpu.memref_slice %arg4[%dma_wait3A_546, %mul3A_2, %dma_wait3A_549] : memref<16x64x1024xf32, #tpu.memory_space<hbm>> -> memref<1x1x1024xf32, #tpu.memory_space<hbm>>
    %dma_wait3A_551 = tpu.memref_squeeze %dma_wait3A_550 : memref<1x1x1024xf32, #tpu.memory_space<hbm>> -> memref<1024xf32, #tpu.memory_space<hbm>>
    %dma_wait3A_552 = arith.constant 0 : i32
    %dma_wait3A_553 = tpu.memref_slice %arg4[%dma_wait3A_546, %mul3A_2, %dma_wait3A_552] : memref<16x64x1024xf32, #tpu.memory_space<hbm>> -> memref<1x1x1024xf32, #tpu.memory_space<hbm>>
    %dma_wait3A_554 = tpu.memref_squeeze %dma_wait3A_553 : memref<1x1x1024xf32, #tpu.memory_space<hbm>> -> memref<1024xf32, #tpu.memory_space<hbm>>
    %dma_wait3A_555 = arith.constant 7168 : i32
    %dma_wait3A_556 = tpu.memref_slice %arg8[%dma_wait3A_555] : memref<16384xf32, #tpu.memory_space<vmem>> -> memref<1024xf32, #tpu.memory_space<vmem>>
    tpu.wait_dma2 semaphore(%arg10 : memref<!tpu.dma_semaphore, #tpu.memory_space<semaphore_mem>>) src(%dma_wait3A_556 : memref<1024xf32, #tpu.memory_space<vmem>>) dst(%dma_wait3A_554 : memref<1024xf32, #tpu.memory_space<hbm>>)
    %dma_wait3A_557 = arith.constant 7 : i32
    %dma_wait3A_558 = arith.constant 7168 : i32
    %dma_wait3A_559 = tpu.memref_slice %arg9[%dma_wait3A_558] : memref<16384xf32, #tpu.memory_space<vmem>> -> memref<1024xf32, #tpu.memory_space<vmem>>
    %dma_wait3A_560 = arith.constant 0 : i32
    %dma_wait3A_561 = tpu.memref_slice %arg4[%dma_wait3A_557, %add3A_189, %dma_wait3A_560] : memref<16x64x1024xf32, #tpu.memory_space<hbm>> -> memref<1x1x1024xf32, #tpu.memory_space<hbm>>
    %dma_wait3A_562 = tpu.memref_squeeze %dma_wait3A_561 : memref<1x1x1024xf32, #tpu.memory_space<hbm>> -> memref<1024xf32, #tpu.memory_space<hbm>>
    %dma_wait3A_563 = arith.constant 0 : i32
    %dma_wait3A_564 = tpu.memref_slice %arg4[%dma_wait3A_557, %add3A_189, %dma_wait3A_563] : memref<16x64x1024xf32, #tpu.memory_space<hbm>> -> memref<1x1x1024xf32, #tpu.memory_space<hbm>>
    %dma_wait3A_565 = tpu.memref_squeeze %dma_wait3A_564 : memref<1x1x1024xf32, #tpu.memory_space<hbm>> -> memref<1024xf32, #tpu.memory_space<hbm>>
    %dma_wait3A_566 = arith.constant 7168 : i32
    %dma_wait3A_567 = tpu.memref_slice %arg9[%dma_wait3A_566] : memref<16384xf32, #tpu.memory_space<vmem>> -> memref<1024xf32, #tpu.memory_space<vmem>>
    tpu.wait_dma2 semaphore(%arg10 : memref<!tpu.dma_semaphore, #tpu.memory_space<semaphore_mem>>) src(%dma_wait3A_567 : memref<1024xf32, #tpu.memory_space<vmem>>) dst(%dma_wait3A_565 : memref<1024xf32, #tpu.memory_space<hbm>>)
    %dma_wait3A_568 = arith.constant 8 : i32
    %dma_wait3A_569 = arith.constant 8192 : i32
    %dma_wait3A_570 = tpu.memref_slice %arg8[%dma_wait3A_569] : memref<16384xf32, #tpu.memory_space<vmem>> -> memref<1024xf32, #tpu.memory_space<vmem>>
    %dma_wait3A_571 = arith.constant 0 : i32
    %dma_wait3A_572 = tpu.memref_slice %arg4[%dma_wait3A_568, %mul3A_2, %dma_wait3A_571] : memref<16x64x1024xf32, #tpu.memory_space<hbm>> -> memref<1x1x1024xf32, #tpu.memory_space<hbm>>
    %dma_wait3A_573 = tpu.memref_squeeze %dma_wait3A_572 : memref<1x1x1024xf32, #tpu.memory_space<hbm>> -> memref<1024xf32, #tpu.memory_space<hbm>>
    %dma_wait3A_574 = arith.constant 0 : i32
    %dma_wait3A_575 = tpu.memref_slice %arg4[%dma_wait3A_568, %mul3A_2, %dma_wait3A_574] : memref<16x64x1024xf32, #tpu.memory_space<hbm>> -> memref<1x1x1024xf32, #tpu.memory_space<hbm>>
    %dma_wait3A_576 = tpu.memref_squeeze %dma_wait3A_575 : memref<1x1x1024xf32, #tpu.memory_space<hbm>> -> memref<1024xf32, #tpu.memory_space<hbm>>
    %dma_wait3A_577 = arith.constant 8192 : i32
    %dma_wait3A_578 = tpu.memref_slice %arg8[%dma_wait3A_577] : memref<16384xf32, #tpu.memory_space<vmem>> -> memref<1024xf32, #tpu.memory_space<vmem>>
    tpu.wait_dma2 semaphore(%arg10 : memref<!tpu.dma_semaphore, #tpu.memory_space<semaphore_mem>>) src(%dma_wait3A_578 : memref<1024xf32, #tpu.memory_space<vmem>>) dst(%dma_wait3A_576 : memref<1024xf32, #tpu.memory_space<hbm>>)
    %dma_wait3A_579 = arith.constant 8 : i32
    %dma_wait3A_580 = arith.constant 8192 : i32
    %dma_wait3A_581 = tpu.memref_slice %arg9[%dma_wait3A_580] : memref<16384xf32, #tpu.memory_space<vmem>> -> memref<1024xf32, #tpu.memory_space<vmem>>
    %dma_wait3A_582 = arith.constant 0 : i32
    %dma_wait3A_583 = tpu.memref_slice %arg4[%dma_wait3A_579, %add3A_213, %dma_wait3A_582] : memref<16x64x1024xf32, #tpu.memory_space<hbm>> -> memref<1x1x1024xf32, #tpu.memory_space<hbm>>
    %dma_wait3A_584 = tpu.memref_squeeze %dma_wait3A_583 : memref<1x1x1024xf32, #tpu.memory_space<hbm>> -> memref<1024xf32, #tpu.memory_space<hbm>>
    %dma_wait3A_585 = arith.constant 0 : i32
    %dma_wait3A_586 = tpu.memref_slice %arg4[%dma_wait3A_579, %add3A_213, %dma_wait3A_585] : memref<16x64x1024xf32, #tpu.memory_space<hbm>> -> memref<1x1x1024xf32, #tpu.memory_space<hbm>>
    %dma_wait3A_587 = tpu.memref_squeeze %dma_wait3A_586 : memref<1x1x1024xf32, #tpu.memory_space<hbm>> -> memref<1024xf32, #tpu.memory_space<hbm>>
    %dma_wait3A_588 = arith.constant 8192 : i32
    %dma_wait3A_589 = tpu.memref_slice %arg9[%dma_wait3A_588] : memref<16384xf32, #tpu.memory_space<vmem>> -> memref<1024xf32, #tpu.memory_space<vmem>>
    tpu.wait_dma2 semaphore(%arg10 : memref<!tpu.dma_semaphore, #tpu.memory_space<semaphore_mem>>) src(%dma_wait3A_589 : memref<1024xf32, #tpu.memory_space<vmem>>) dst(%dma_wait3A_587 : memref<1024xf32, #tpu.memory_space<hbm>>)
    %dma_wait3A_590 = arith.constant 9 : i32
    %dma_wait3A_591 = arith.constant 9216 : i32
    %dma_wait3A_592 = tpu.memref_slice %arg8[%dma_wait3A_591] : memref<16384xf32, #tpu.memory_space<vmem>> -> memref<1024xf32, #tpu.memory_space<vmem>>
    %dma_wait3A_593 = arith.constant 0 : i32
    %dma_wait3A_594 = tpu.memref_slice %arg4[%dma_wait3A_590, %mul3A_2, %dma_wait3A_593] : memref<16x64x1024xf32, #tpu.memory_space<hbm>> -> memref<1x1x1024xf32, #tpu.memory_space<hbm>>
    %dma_wait3A_595 = tpu.memref_squeeze %dma_wait3A_594 : memref<1x1x1024xf32, #tpu.memory_space<hbm>> -> memref<1024xf32, #tpu.memory_space<hbm>>
    %dma_wait3A_596 = arith.constant 0 : i32
    %dma_wait3A_597 = tpu.memref_slice %arg4[%dma_wait3A_590, %mul3A_2, %dma_wait3A_596] : memref<16x64x1024xf32, #tpu.memory_space<hbm>> -> memref<1x1x1024xf32, #tpu.memory_space<hbm>>
    %dma_wait3A_598 = tpu.memref_squeeze %dma_wait3A_597 : memref<1x1x1024xf32, #tpu.memory_space<hbm>> -> memref<1024xf32, #tpu.memory_space<hbm>>
    %dma_wait3A_599 = arith.constant 9216 : i32
    %dma_wait3A_600 = tpu.memref_slice %arg8[%dma_wait3A_599] : memref<16384xf32, #tpu.memory_space<vmem>> -> memref<1024xf32, #tpu.memory_space<vmem>>
    tpu.wait_dma2 semaphore(%arg10 : memref<!tpu.dma_semaphore, #tpu.memory_space<semaphore_mem>>) src(%dma_wait3A_600 : memref<1024xf32, #tpu.memory_space<vmem>>) dst(%dma_wait3A_598 : memref<1024xf32, #tpu.memory_space<hbm>>)
    %dma_wait3A_601 = arith.constant 9 : i32
    %dma_wait3A_602 = arith.constant 9216 : i32
    %dma_wait3A_603 = tpu.memref_slice %arg9[%dma_wait3A_602] : memref<16384xf32, #tpu.memory_space<vmem>> -> memref<1024xf32, #tpu.memory_space<vmem>>
    %dma_wait3A_604 = arith.constant 0 : i32
    %dma_wait3A_605 = tpu.memref_slice %arg4[%dma_wait3A_601, %add3A_237, %dma_wait3A_604] : memref<16x64x1024xf32, #tpu.memory_space<hbm>> -> memref<1x1x1024xf32, #tpu.memory_space<hbm>>
    %dma_wait3A_606 = tpu.memref_squeeze %dma_wait3A_605 : memref<1x1x1024xf32, #tpu.memory_space<hbm>> -> memref<1024xf32, #tpu.memory_space<hbm>>
    %dma_wait3A_607 = arith.constant 0 : i32
    %dma_wait3A_608 = tpu.memref_slice %arg4[%dma_wait3A_601, %add3A_237, %dma_wait3A_607] : memref<16x64x1024xf32, #tpu.memory_space<hbm>> -> memref<1x1x1024xf32, #tpu.memory_space<hbm>>
    %dma_wait3A_609 = tpu.memref_squeeze %dma_wait3A_608 : memref<1x1x1024xf32, #tpu.memory_space<hbm>> -> memref<1024xf32, #tpu.memory_space<hbm>>
    %dma_wait3A_610 = arith.constant 9216 : i32
    %dma_wait3A_611 = tpu.memref_slice %arg9[%dma_wait3A_610] : memref<16384xf32, #tpu.memory_space<vmem>> -> memref<1024xf32, #tpu.memory_space<vmem>>
    tpu.wait_dma2 semaphore(%arg10 : memref<!tpu.dma_semaphore, #tpu.memory_space<semaphore_mem>>) src(%dma_wait3A_611 : memref<1024xf32, #tpu.memory_space<vmem>>) dst(%dma_wait3A_609 : memref<1024xf32, #tpu.memory_space<hbm>>)
    %dma_wait3A_612 = arith.constant 10 : i32
    %dma_wait3A_613 = arith.constant 10240 : i32
    %dma_wait3A_614 = tpu.memref_slice %arg8[%dma_wait3A_613] : memref<16384xf32, #tpu.memory_space<vmem>> -> memref<1024xf32, #tpu.memory_space<vmem>>
    %dma_wait3A_615 = arith.constant 0 : i32
    %dma_wait3A_616 = tpu.memref_slice %arg4[%dma_wait3A_612, %mul3A_2, %dma_wait3A_615] : memref<16x64x1024xf32, #tpu.memory_space<hbm>> -> memref<1x1x1024xf32, #tpu.memory_space<hbm>>
    %dma_wait3A_617 = tpu.memref_squeeze %dma_wait3A_616 : memref<1x1x1024xf32, #tpu.memory_space<hbm>> -> memref<1024xf32, #tpu.memory_space<hbm>>
    %dma_wait3A_618 = arith.constant 0 : i32
    %dma_wait3A_619 = tpu.memref_slice %arg4[%dma_wait3A_612, %mul3A_2, %dma_wait3A_618] : memref<16x64x1024xf32, #tpu.memory_space<hbm>> -> memref<1x1x1024xf32, #tpu.memory_space<hbm>>
    %dma_wait3A_620 = tpu.memref_squeeze %dma_wait3A_619 : memref<1x1x1024xf32, #tpu.memory_space<hbm>> -> memref<1024xf32, #tpu.memory_space<hbm>>
    %dma_wait3A_621 = arith.constant 10240 : i32
    %dma_wait3A_622 = tpu.memref_slice %arg8[%dma_wait3A_621] : memref<16384xf32, #tpu.memory_space<vmem>> -> memref<1024xf32, #tpu.memory_space<vmem>>
    tpu.wait_dma2 semaphore(%arg10 : memref<!tpu.dma_semaphore, #tpu.memory_space<semaphore_mem>>) src(%dma_wait3A_622 : memref<1024xf32, #tpu.memory_space<vmem>>) dst(%dma_wait3A_620 : memref<1024xf32, #tpu.memory_space<hbm>>)
    %dma_wait3A_623 = arith.constant 10 : i32
    %dma_wait3A_624 = arith.constant 10240 : i32
    %dma_wait3A_625 = tpu.memref_slice %arg9[%dma_wait3A_624] : memref<16384xf32, #tpu.memory_space<vmem>> -> memref<1024xf32, #tpu.memory_space<vmem>>
    %dma_wait3A_626 = arith.constant 0 : i32
    %dma_wait3A_627 = tpu.memref_slice %arg4[%dma_wait3A_623, %add3A_261, %dma_wait3A_626] : memref<16x64x1024xf32, #tpu.memory_space<hbm>> -> memref<1x1x1024xf32, #tpu.memory_space<hbm>>
    %dma_wait3A_628 = tpu.memref_squeeze %dma_wait3A_627 : memref<1x1x1024xf32, #tpu.memory_space<hbm>> -> memref<1024xf32, #tpu.memory_space<hbm>>
    %dma_wait3A_629 = arith.constant 0 : i32
    %dma_wait3A_630 = tpu.memref_slice %arg4[%dma_wait3A_623, %add3A_261, %dma_wait3A_629] : memref<16x64x1024xf32, #tpu.memory_space<hbm>> -> memref<1x1x1024xf32, #tpu.memory_space<hbm>>
    %dma_wait3A_631 = tpu.memref_squeeze %dma_wait3A_630 : memref<1x1x1024xf32, #tpu.memory_space<hbm>> -> memref<1024xf32, #tpu.memory_space<hbm>>
    %dma_wait3A_632 = arith.constant 10240 : i32
    %dma_wait3A_633 = tpu.memref_slice %arg9[%dma_wait3A_632] : memref<16384xf32, #tpu.memory_space<vmem>> -> memref<1024xf32, #tpu.memory_space<vmem>>
    tpu.wait_dma2 semaphore(%arg10 : memref<!tpu.dma_semaphore, #tpu.memory_space<semaphore_mem>>) src(%dma_wait3A_633 : memref<1024xf32, #tpu.memory_space<vmem>>) dst(%dma_wait3A_631 : memref<1024xf32, #tpu.memory_space<hbm>>)
    %dma_wait3A_634 = arith.constant 11 : i32
    %dma_wait3A_635 = arith.constant 11264 : i32
    %dma_wait3A_636 = tpu.memref_slice %arg8[%dma_wait3A_635] : memref<16384xf32, #tpu.memory_space<vmem>> -> memref<1024xf32, #tpu.memory_space<vmem>>
    %dma_wait3A_637 = arith.constant 0 : i32
    %dma_wait3A_638 = tpu.memref_slice %arg4[%dma_wait3A_634, %mul3A_2, %dma_wait3A_637] : memref<16x64x1024xf32, #tpu.memory_space<hbm>> -> memref<1x1x1024xf32, #tpu.memory_space<hbm>>
    %dma_wait3A_639 = tpu.memref_squeeze %dma_wait3A_638 : memref<1x1x1024xf32, #tpu.memory_space<hbm>> -> memref<1024xf32, #tpu.memory_space<hbm>>
    %dma_wait3A_640 = arith.constant 0 : i32
    %dma_wait3A_641 = tpu.memref_slice %arg4[%dma_wait3A_634, %mul3A_2, %dma_wait3A_640] : memref<16x64x1024xf32, #tpu.memory_space<hbm>> -> memref<1x1x1024xf32, #tpu.memory_space<hbm>>
    %dma_wait3A_642 = tpu.memref_squeeze %dma_wait3A_641 : memref<1x1x1024xf32, #tpu.memory_space<hbm>> -> memref<1024xf32, #tpu.memory_space<hbm>>
    %dma_wait3A_643 = arith.constant 11264 : i32
    %dma_wait3A_644 = tpu.memref_slice %arg8[%dma_wait3A_643] : memref<16384xf32, #tpu.memory_space<vmem>> -> memref<1024xf32, #tpu.memory_space<vmem>>
    tpu.wait_dma2 semaphore(%arg10 : memref<!tpu.dma_semaphore, #tpu.memory_space<semaphore_mem>>) src(%dma_wait3A_644 : memref<1024xf32, #tpu.memory_space<vmem>>) dst(%dma_wait3A_642 : memref<1024xf32, #tpu.memory_space<hbm>>)
    %dma_wait3A_645 = arith.constant 11 : i32
    %dma_wait3A_646 = arith.constant 11264 : i32
    %dma_wait3A_647 = tpu.memref_slice %arg9[%dma_wait3A_646] : memref<16384xf32, #tpu.memory_space<vmem>> -> memref<1024xf32, #tpu.memory_space<vmem>>
    %dma_wait3A_648 = arith.constant 0 : i32
    %dma_wait3A_649 = tpu.memref_slice %arg4[%dma_wait3A_645, %add3A_285, %dma_wait3A_648] : memref<16x64x1024xf32, #tpu.memory_space<hbm>> -> memref<1x1x1024xf32, #tpu.memory_space<hbm>>
    %dma_wait3A_650 = tpu.memref_squeeze %dma_wait3A_649 : memref<1x1x1024xf32, #tpu.memory_space<hbm>> -> memref<1024xf32, #tpu.memory_space<hbm>>
    %dma_wait3A_651 = arith.constant 0 : i32
    %dma_wait3A_652 = tpu.memref_slice %arg4[%dma_wait3A_645, %add3A_285, %dma_wait3A_651] : memref<16x64x1024xf32, #tpu.memory_space<hbm>> -> memref<1x1x1024xf32, #tpu.memory_space<hbm>>
    %dma_wait3A_653 = tpu.memref_squeeze %dma_wait3A_652 : memref<1x1x1024xf32, #tpu.memory_space<hbm>> -> memref<1024xf32, #tpu.memory_space<hbm>>
    %dma_wait3A_654 = arith.constant 11264 : i32
    %dma_wait3A_655 = tpu.memref_slice %arg9[%dma_wait3A_654] : memref<16384xf32, #tpu.memory_space<vmem>> -> memref<1024xf32, #tpu.memory_space<vmem>>
    tpu.wait_dma2 semaphore(%arg10 : memref<!tpu.dma_semaphore, #tpu.memory_space<semaphore_mem>>) src(%dma_wait3A_655 : memref<1024xf32, #tpu.memory_space<vmem>>) dst(%dma_wait3A_653 : memref<1024xf32, #tpu.memory_space<hbm>>)
    %dma_wait3A_656 = arith.constant 12 : i32
    %dma_wait3A_657 = arith.constant 12288 : i32
    %dma_wait3A_658 = tpu.memref_slice %arg8[%dma_wait3A_657] : memref<16384xf32, #tpu.memory_space<vmem>> -> memref<1024xf32, #tpu.memory_space<vmem>>
    %dma_wait3A_659 = arith.constant 0 : i32
    %dma_wait3A_660 = tpu.memref_slice %arg4[%dma_wait3A_656, %mul3A_2, %dma_wait3A_659] : memref<16x64x1024xf32, #tpu.memory_space<hbm>> -> memref<1x1x1024xf32, #tpu.memory_space<hbm>>
    %dma_wait3A_661 = tpu.memref_squeeze %dma_wait3A_660 : memref<1x1x1024xf32, #tpu.memory_space<hbm>> -> memref<1024xf32, #tpu.memory_space<hbm>>
    %dma_wait3A_662 = arith.constant 0 : i32
    %dma_wait3A_663 = tpu.memref_slice %arg4[%dma_wait3A_656, %mul3A_2, %dma_wait3A_662] : memref<16x64x1024xf32, #tpu.memory_space<hbm>> -> memref<1x1x1024xf32, #tpu.memory_space<hbm>>
    %dma_wait3A_664 = tpu.memref_squeeze %dma_wait3A_663 : memref<1x1x1024xf32, #tpu.memory_space<hbm>> -> memref<1024xf32, #tpu.memory_space<hbm>>
    %dma_wait3A_665 = arith.constant 12288 : i32
    %dma_wait3A_666 = tpu.memref_slice %arg8[%dma_wait3A_665] : memref<16384xf32, #tpu.memory_space<vmem>> -> memref<1024xf32, #tpu.memory_space<vmem>>
    tpu.wait_dma2 semaphore(%arg10 : memref<!tpu.dma_semaphore, #tpu.memory_space<semaphore_mem>>) src(%dma_wait3A_666 : memref<1024xf32, #tpu.memory_space<vmem>>) dst(%dma_wait3A_664 : memref<1024xf32, #tpu.memory_space<hbm>>)
    %dma_wait3A_667 = arith.constant 12 : i32
    %dma_wait3A_668 = arith.constant 12288 : i32
    %dma_wait3A_669 = tpu.memref_slice %arg9[%dma_wait3A_668] : memref<16384xf32, #tpu.memory_space<vmem>> -> memref<1024xf32, #tpu.memory_space<vmem>>
    %dma_wait3A_670 = arith.constant 0 : i32
    %dma_wait3A_671 = tpu.memref_slice %arg4[%dma_wait3A_667, %add3A_309, %dma_wait3A_670] : memref<16x64x1024xf32, #tpu.memory_space<hbm>> -> memref<1x1x1024xf32, #tpu.memory_space<hbm>>
    %dma_wait3A_672 = tpu.memref_squeeze %dma_wait3A_671 : memref<1x1x1024xf32, #tpu.memory_space<hbm>> -> memref<1024xf32, #tpu.memory_space<hbm>>
    %dma_wait3A_673 = arith.constant 0 : i32
    %dma_wait3A_674 = tpu.memref_slice %arg4[%dma_wait3A_667, %add3A_309, %dma_wait3A_673] : memref<16x64x1024xf32, #tpu.memory_space<hbm>> -> memref<1x1x1024xf32, #tpu.memory_space<hbm>>
    %dma_wait3A_675 = tpu.memref_squeeze %dma_wait3A_674 : memref<1x1x1024xf32, #tpu.memory_space<hbm>> -> memref<1024xf32, #tpu.memory_space<hbm>>
    %dma_wait3A_676 = arith.constant 12288 : i32
    %dma_wait3A_677 = tpu.memref_slice %arg9[%dma_wait3A_676] : memref<16384xf32, #tpu.memory_space<vmem>> -> memref<1024xf32, #tpu.memory_space<vmem>>
    tpu.wait_dma2 semaphore(%arg10 : memref<!tpu.dma_semaphore, #tpu.memory_space<semaphore_mem>>) src(%dma_wait3A_677 : memref<1024xf32, #tpu.memory_space<vmem>>) dst(%dma_wait3A_675 : memref<1024xf32, #tpu.memory_space<hbm>>)
    %dma_wait3A_678 = arith.constant 13 : i32
    %dma_wait3A_679 = arith.constant 13312 : i32
    %dma_wait3A_680 = tpu.memref_slice %arg8[%dma_wait3A_679] : memref<16384xf32, #tpu.memory_space<vmem>> -> memref<1024xf32, #tpu.memory_space<vmem>>
    %dma_wait3A_681 = arith.constant 0 : i32
    %dma_wait3A_682 = tpu.memref_slice %arg4[%dma_wait3A_678, %mul3A_2, %dma_wait3A_681] : memref<16x64x1024xf32, #tpu.memory_space<hbm>> -> memref<1x1x1024xf32, #tpu.memory_space<hbm>>
    %dma_wait3A_683 = tpu.memref_squeeze %dma_wait3A_682 : memref<1x1x1024xf32, #tpu.memory_space<hbm>> -> memref<1024xf32, #tpu.memory_space<hbm>>
    %dma_wait3A_684 = arith.constant 0 : i32
    %dma_wait3A_685 = tpu.memref_slice %arg4[%dma_wait3A_678, %mul3A_2, %dma_wait3A_684] : memref<16x64x1024xf32, #tpu.memory_space<hbm>> -> memref<1x1x1024xf32, #tpu.memory_space<hbm>>
    %dma_wait3A_686 = tpu.memref_squeeze %dma_wait3A_685 : memref<1x1x1024xf32, #tpu.memory_space<hbm>> -> memref<1024xf32, #tpu.memory_space<hbm>>
    %dma_wait3A_687 = arith.constant 13312 : i32
    %dma_wait3A_688 = tpu.memref_slice %arg8[%dma_wait3A_687] : memref<16384xf32, #tpu.memory_space<vmem>> -> memref<1024xf32, #tpu.memory_space<vmem>>
    tpu.wait_dma2 semaphore(%arg10 : memref<!tpu.dma_semaphore, #tpu.memory_space<semaphore_mem>>) src(%dma_wait3A_688 : memref<1024xf32, #tpu.memory_space<vmem>>) dst(%dma_wait3A_686 : memref<1024xf32, #tpu.memory_space<hbm>>)
    %dma_wait3A_689 = arith.constant 13 : i32
    %dma_wait3A_690 = arith.constant 13312 : i32
    %dma_wait3A_691 = tpu.memref_slice %arg9[%dma_wait3A_690] : memref<16384xf32, #tpu.memory_space<vmem>> -> memref<1024xf32, #tpu.memory_space<vmem>>
    %dma_wait3A_692 = arith.constant 0 : i32
    %dma_wait3A_693 = tpu.memref_slice %arg4[%dma_wait3A_689, %add3A_333, %dma_wait3A_692] : memref<16x64x1024xf32, #tpu.memory_space<hbm>> -> memref<1x1x1024xf32, #tpu.memory_space<hbm>>
    %dma_wait3A_694 = tpu.memref_squeeze %dma_wait3A_693 : memref<1x1x1024xf32, #tpu.memory_space<hbm>> -> memref<1024xf32, #tpu.memory_space<hbm>>
    %dma_wait3A_695 = arith.constant 0 : i32
    %dma_wait3A_696 = tpu.memref_slice %arg4[%dma_wait3A_689, %add3A_333, %dma_wait3A_695] : memref<16x64x1024xf32, #tpu.memory_space<hbm>> -> memref<1x1x1024xf32, #tpu.memory_space<hbm>>
    %dma_wait3A_697 = tpu.memref_squeeze %dma_wait3A_696 : memref<1x1x1024xf32, #tpu.memory_space<hbm>> -> memref<1024xf32, #tpu.memory_space<hbm>>
    %dma_wait3A_698 = arith.constant 13312 : i32
    %dma_wait3A_699 = tpu.memref_slice %arg9[%dma_wait3A_698] : memref<16384xf32, #tpu.memory_space<vmem>> -> memref<1024xf32, #tpu.memory_space<vmem>>
    tpu.wait_dma2 semaphore(%arg10 : memref<!tpu.dma_semaphore, #tpu.memory_space<semaphore_mem>>) src(%dma_wait3A_699 : memref<1024xf32, #tpu.memory_space<vmem>>) dst(%dma_wait3A_697 : memref<1024xf32, #tpu.memory_space<hbm>>)
    %dma_wait3A_700 = arith.constant 14 : i32
    %dma_wait3A_701 = arith.constant 14336 : i32
    %dma_wait3A_702 = tpu.memref_slice %arg8[%dma_wait3A_701] : memref<16384xf32, #tpu.memory_space<vmem>> -> memref<1024xf32, #tpu.memory_space<vmem>>
    %dma_wait3A_703 = arith.constant 0 : i32
    %dma_wait3A_704 = tpu.memref_slice %arg4[%dma_wait3A_700, %mul3A_2, %dma_wait3A_703] : memref<16x64x1024xf32, #tpu.memory_space<hbm>> -> memref<1x1x1024xf32, #tpu.memory_space<hbm>>
    %dma_wait3A_705 = tpu.memref_squeeze %dma_wait3A_704 : memref<1x1x1024xf32, #tpu.memory_space<hbm>> -> memref<1024xf32, #tpu.memory_space<hbm>>
    %dma_wait3A_706 = arith.constant 0 : i32
    %dma_wait3A_707 = tpu.memref_slice %arg4[%dma_wait3A_700, %mul3A_2, %dma_wait3A_706] : memref<16x64x1024xf32, #tpu.memory_space<hbm>> -> memref<1x1x1024xf32, #tpu.memory_space<hbm>>
    %dma_wait3A_708 = tpu.memref_squeeze %dma_wait3A_707 : memref<1x1x1024xf32, #tpu.memory_space<hbm>> -> memref<1024xf32, #tpu.memory_space<hbm>>
    %dma_wait3A_709 = arith.constant 14336 : i32
    %dma_wait3A_710 = tpu.memref_slice %arg8[%dma_wait3A_709] : memref<16384xf32, #tpu.memory_space<vmem>> -> memref<1024xf32, #tpu.memory_space<vmem>>
    tpu.wait_dma2 semaphore(%arg10 : memref<!tpu.dma_semaphore, #tpu.memory_space<semaphore_mem>>) src(%dma_wait3A_710 : memref<1024xf32, #tpu.memory_space<vmem>>) dst(%dma_wait3A_708 : memref<1024xf32, #tpu.memory_space<hbm>>)
    %dma_wait3A_711 = arith.constant 14 : i32
    %dma_wait3A_712 = arith.constant 14336 : i32
    %dma_wait3A_713 = tpu.memref_slice %arg9[%dma_wait3A_712] : memref<16384xf32, #tpu.memory_space<vmem>> -> memref<1024xf32, #tpu.memory_space<vmem>>
    %dma_wait3A_714 = arith.constant 0 : i32
    %dma_wait3A_715 = tpu.memref_slice %arg4[%dma_wait3A_711, %add3A_357, %dma_wait3A_714] : memref<16x64x1024xf32, #tpu.memory_space<hbm>> -> memref<1x1x1024xf32, #tpu.memory_space<hbm>>
    %dma_wait3A_716 = tpu.memref_squeeze %dma_wait3A_715 : memref<1x1x1024xf32, #tpu.memory_space<hbm>> -> memref<1024xf32, #tpu.memory_space<hbm>>
    %dma_wait3A_717 = arith.constant 0 : i32
    %dma_wait3A_718 = tpu.memref_slice %arg4[%dma_wait3A_711, %add3A_357, %dma_wait3A_717] : memref<16x64x1024xf32, #tpu.memory_space<hbm>> -> memref<1x1x1024xf32, #tpu.memory_space<hbm>>
    %dma_wait3A_719 = tpu.memref_squeeze %dma_wait3A_718 : memref<1x1x1024xf32, #tpu.memory_space<hbm>> -> memref<1024xf32, #tpu.memory_space<hbm>>
    %dma_wait3A_720 = arith.constant 14336 : i32
    %dma_wait3A_721 = tpu.memref_slice %arg9[%dma_wait3A_720] : memref<16384xf32, #tpu.memory_space<vmem>> -> memref<1024xf32, #tpu.memory_space<vmem>>
    tpu.wait_dma2 semaphore(%arg10 : memref<!tpu.dma_semaphore, #tpu.memory_space<semaphore_mem>>) src(%dma_wait3A_721 : memref<1024xf32, #tpu.memory_space<vmem>>) dst(%dma_wait3A_719 : memref<1024xf32, #tpu.memory_space<hbm>>)
    %dma_wait3A_722 = arith.constant 15 : i32
    %dma_wait3A_723 = arith.constant 15360 : i32
    %dma_wait3A_724 = tpu.memref_slice %arg8[%dma_wait3A_723] : memref<16384xf32, #tpu.memory_space<vmem>> -> memref<1024xf32, #tpu.memory_space<vmem>>
    %dma_wait3A_725 = arith.constant 0 : i32
    %dma_wait3A_726 = tpu.memref_slice %arg4[%dma_wait3A_722, %mul3A_2, %dma_wait3A_725] : memref<16x64x1024xf32, #tpu.memory_space<hbm>> -> memref<1x1x1024xf32, #tpu.memory_space<hbm>>
    %dma_wait3A_727 = tpu.memref_squeeze %dma_wait3A_726 : memref<1x1x1024xf32, #tpu.memory_space<hbm>> -> memref<1024xf32, #tpu.memory_space<hbm>>
    %dma_wait3A_728 = arith.constant 0 : i32
    %dma_wait3A_729 = tpu.memref_slice %arg4[%dma_wait3A_722, %mul3A_2, %dma_wait3A_728] : memref<16x64x1024xf32, #tpu.memory_space<hbm>> -> memref<1x1x1024xf32, #tpu.memory_space<hbm>>
    %dma_wait3A_730 = tpu.memref_squeeze %dma_wait3A_729 : memref<1x1x1024xf32, #tpu.memory_space<hbm>> -> memref<1024xf32, #tpu.memory_space<hbm>>
    %dma_wait3A_731 = arith.constant 15360 : i32
    %dma_wait3A_732 = tpu.memref_slice %arg8[%dma_wait3A_731] : memref<16384xf32, #tpu.memory_space<vmem>> -> memref<1024xf32, #tpu.memory_space<vmem>>
    tpu.wait_dma2 semaphore(%arg10 : memref<!tpu.dma_semaphore, #tpu.memory_space<semaphore_mem>>) src(%dma_wait3A_732 : memref<1024xf32, #tpu.memory_space<vmem>>) dst(%dma_wait3A_730 : memref<1024xf32, #tpu.memory_space<hbm>>)
    %dma_wait3A_733 = arith.constant 15 : i32
    %dma_wait3A_734 = arith.constant 15360 : i32
    %dma_wait3A_735 = tpu.memref_slice %arg9[%dma_wait3A_734] : memref<16384xf32, #tpu.memory_space<vmem>> -> memref<1024xf32, #tpu.memory_space<vmem>>
    %dma_wait3A_736 = arith.constant 0 : i32
    %dma_wait3A_737 = tpu.memref_slice %arg4[%dma_wait3A_733, %add3A_381, %dma_wait3A_736] : memref<16x64x1024xf32, #tpu.memory_space<hbm>> -> memref<1x1x1024xf32, #tpu.memory_space<hbm>>
    %dma_wait3A_738 = tpu.memref_squeeze %dma_wait3A_737 : memref<1x1x1024xf32, #tpu.memory_space<hbm>> -> memref<1024xf32, #tpu.memory_space<hbm>>
    %dma_wait3A_739 = arith.constant 0 : i32
    %dma_wait3A_740 = tpu.memref_slice %arg4[%dma_wait3A_733, %add3A_381, %dma_wait3A_739] : memref<16x64x1024xf32, #tpu.memory_space<hbm>> -> memref<1x1x1024xf32, #tpu.memory_space<hbm>>
    %dma_wait3A_741 = tpu.memref_squeeze %dma_wait3A_740 : memref<1x1x1024xf32, #tpu.memory_space<hbm>> -> memref<1024xf32, #tpu.memory_space<hbm>>
    %dma_wait3A_742 = arith.constant 15360 : i32
    %dma_wait3A_743 = tpu.memref_slice %arg9[%dma_wait3A_742] : memref<16384xf32, #tpu.memory_space<vmem>> -> memref<1024xf32, #tpu.memory_space<vmem>>
    tpu.wait_dma2 semaphore(%arg10 : memref<!tpu.dma_semaphore, #tpu.memory_space<semaphore_mem>>) src(%dma_wait3A_743 : memref<1024xf32, #tpu.memory_space<vmem>>) dst(%dma_wait3A_741 : memref<1024xf32, #tpu.memory_space<hbm>>)
    return
  }
}

module attributes {stable_mosaic.version = 14 : i64} {
  func.func @_vq_tc_block(%arg0: i32, %arg1: memref<4x64x1024xf32, #tpu.memory_space<vmem>>, %arg2: memref<64x1024xf32, #tpu.memory_space<vmem>>, %arg3: memref<4x1x1024xi32, #tpu.memory_space<vmem>>, %arg4: memref<1x1xf32, #tpu.memory_space<smem>>) attributes {dimension_semantics = [#tpu.dimension_semantics<arbitrary>], iteration_bounds = array<i64: 4>, scalar_prefetch = 0 : i64, scratch_operands = 0 : i64, tpu.core_type = #tpu.core_type<tc>, window_params = [{transform_indices = @transform_0, window_bounds = array<i64: 4, 64, 1024>}, {pipeline_mode = #tpu.pipeline_mode<synchronous>, transform_indices = @transform_1, window_bounds = array<i64: 64, 1024>}, {transform_indices = @transform_2, window_bounds = array<i64: 4, 1, 1024>}, {transform_indices = @transform_3, window_bounds = array<i64: 1, 1>}]} {
    %get3A = arith.constant 0 : index
    %get3A_0 = arith.constant 0 : index
    %get3A_1 = arith.constant 0 : index
    %get3A_2 = vector.load %arg1[%get3A, %get3A_0, %get3A_1] : memref<4x64x1024xf32, #tpu.memory_space<vmem>>, vector<4x64x1024xf32>
    %transpose3A = tpu.transpose %get3A_2, [0, 2, 1] : vector<4x64x1024xf32> -> vector<4x1024x64xf32>
    %reshape3A = vector.shape_cast %transpose3A : vector<4x1024x64xf32> to vector<4096x64xf32>
    %get3A_3 = arith.constant 0 : index
    %get3A_4 = arith.constant 0 : index
    %get3A_5 = vector.load %arg2[%get3A_3, %get3A_4] : memref<64x1024xf32, #tpu.memory_space<vmem>>, vector<64x1024xf32>
    %mul3A = arith.constant -2.000000e+00 : f32
    %mul3A_6 = vector.broadcast %mul3A : f32 to vector<64x1024xf32>
    %mul3A_7 = arith.mulf %get3A_5, %mul3A_6 : vector<64x1024xf32>
    %mul3A_8 = arith.mulf %get3A_5, %get3A_5 : vector<64x1024xf32>
    %reduce_sum3A = arith.constant dense<0.000000e+00> : vector<1024xf32>
    %reduce_sum3A_9 = vector.multi_reduction <add>, %mul3A_8, %reduce_sum3A [0] : vector<64x1024xf32> to vector<1024xf32>
    %broadcast_in_dim3A = vector.shape_cast %reduce_sum3A_9 : vector<1024xf32> to vector<1x1024xf32>
    %mul3A_10 = arith.mulf %reshape3A, %reshape3A : vector<4096x64xf32>
    %reduce_sum3A_11 = arith.constant dense<0.000000e+00> : vector<4096xf32>
    %reduce_sum3A_12 = vector.multi_reduction <add>, %mul3A_10, %reduce_sum3A_11 [1] : vector<4096x64xf32> to vector<4096xf32>
    %broadcast_in_dim3A_13 = vector.shape_cast %reduce_sum3A_12 : vector<4096xf32> to vector<4096x1xf32>
    %dot_general3A = arith.constant dense<0.000000e+00> : vector<4096x1024xf32>
    %dot_general3A_14 = tpu.matmul %reshape3A, %mul3A_7, %dot_general3A {dimension_numbers = #tpu.dot_dimension_numbers<[1], [0], [0], [1], [0, 0, 1, 1], [], []>, transpose_lhs_hint = false} : vector<4096x64xf32>, vector<64x1024xf32>, vector<4096x1024xf32> -> vector<4096x1024xf32>
    %add3A = vector.broadcast %broadcast_in_dim3A_13 : vector<4096x1xf32> to vector<4096x1024xf32>
    %add3A_15 = arith.addf %add3A, %dot_general3A_14 : vector<4096x1024xf32>
    %add3A_16 = vector.broadcast %broadcast_in_dim3A : vector<1x1024xf32> to vector<4096x1024xf32>
    %add3A_17 = arith.addf %add3A_15, %add3A_16 : vector<4096x1024xf32>
    %reduce_min3A = arith.constant dense<0x7F800000> : vector<4096xf32>
    %reduce_min3A_18 = vector.multi_reduction <minimumf>, %add3A_17, %reduce_min3A [1] : vector<4096x1024xf32> to vector<4096xf32>
    %broadcast_in_dim3A_19 = vector.shape_cast %reduce_min3A_18 : vector<4096xf32> to vector<4096x1xf32>
    %iota3A = tpu.iota {dimensions = array<i32: 1>} : vector<4096x1024xi32>
    %eq3A = vector.broadcast %broadcast_in_dim3A_19 : vector<4096x1xf32> to vector<4096x1024xf32>
    %eq3A_20 = arith.cmpf oeq, %add3A_17, %eq3A : vector<4096x1024xf32>
    %jit3A = arith.constant 1024 : i32
    %broadcast_in_dim3A_21 = vector.broadcast %jit3A : i32 to vector<4096x1024xi32>
    %select_n3A = arith.select %eq3A_20, %iota3A, %broadcast_in_dim3A_21 : vector<4096x1024xi1>, vector<4096x1024xi32>
    %reduce_min3A_22 = arith.constant dense<2147483647> : vector<4096xi32>
    %reduce_min3A_23 = vector.multi_reduction <minsi>, %select_n3A, %reduce_min3A_22 [1] : vector<4096x1024xi32> to vector<4096xi32>
    %reshape3A_24 = vector.shape_cast %reduce_min3A_23 : vector<4096xi32> to vector<4x1x1024xi32>
    %swap3A = arith.constant 0 : index
    %swap3A_25 = arith.constant 0 : index
    %swap3A_26 = arith.constant 0 : index
    %swap3A_27 = vector.load %arg3[%swap3A, %swap3A_25, %swap3A_26] : memref<4x1x1024xi32, #tpu.memory_space<vmem>>, vector<4x1x1024xi32>
    tpu.vector_store %arg3[%swap3A, %swap3A_25, %swap3A_26], %reshape3A_24 {strides = array<i32>} : memref<4x1x1024xi32, #tpu.memory_space<vmem>>, vector<4x1x1024xi32>,
    %reduce_sum3A_28 = vector.shape_cast %broadcast_in_dim3A_19 : vector<4096x1xf32> to vector<1x4096x1xf32>
    %reduce_sum3A_29 = arith.constant dense<0.000000e+00> : vector<1xf32>
    %reduce_sum3A_30 = vector.multi_reduction <add>, %reduce_sum3A_28, %reduce_sum3A_29 [1, 2] : vector<1x4096x1xf32> to vector<1xf32>
    %reduce_sum3A_31 = vector.shape_cast %reduce_sum3A_30 : vector<1xf32> to vector<1x1x1xf32>
    %reduce_sum3A_32 = vector.extract %reduce_sum3A_31[0, 0, 0] : f32 from vector<1x1x1xf32>
    %eq3A_33 = arith.constant 0 : i32
    %eq3A_34 = arith.cmpi eq, %arg0, %eq3A_33 : i32
    %convert_element_type3A = arith.extui %eq3A_34 : i1 to i32
    %cond3A = arith.constant 0 : i32
    %cond3A_35 = arith.cmpi ne, %convert_element_type3A, %cond3A : i32
    scf.if %cond3A_35 {
      %swap3A_43 = arith.constant 0.000000e+00 : f32
      %swap3A_44 = arith.constant 0 : index
      %swap3A_45 = arith.constant 0 : index
      %swap3A_46 = memref.load %arg4[%swap3A_44, %swap3A_45] : memref<1x1xf32, #tpu.memory_space<smem>>
      memref.store %swap3A_43, %arg4[%swap3A_44, %swap3A_45] : memref<1x1xf32, #tpu.memory_space<smem>>
    } else {
    }
    %get3A_36 = arith.constant 0 : index
    %get3A_37 = arith.constant 0 : index
    %get3A_38 = memref.load %arg4[%get3A_36, %get3A_37] : memref<1x1xf32, #tpu.memory_space<smem>>
    %add3A_39 = arith.addf %get3A_38, %reduce_sum3A_32 : f32
    %swap3A_40 = arith.constant 0 : index
    %swap3A_41 = arith.constant 0 : index
    %swap3A_42 = memref.load %arg4[%swap3A_40, %swap3A_41] : memref<1x1xf32, #tpu.memory_space<smem>>
    memref.store %add3A_39, %arg4[%swap3A_40, %swap3A_41] : memref<1x1xf32, #tpu.memory_space<smem>>
    return
  }
  func.func @transform_0(%arg0: i32) -> (i32, i32, i32) {
    %c0_i32 = arith.constant 0 : i32
    %c0_i32_0 = arith.constant 0 : i32
    %c0_i32_1 = arith.constant 0 : i32
    return %arg0, %c0_i32, %c0_i32_0 : i32, i32, i32
  }
  func.func @transform_1(%arg0: i32) -> (i32, i32) {
    %c0_i32 = arith.constant 0 : i32
    %c0_i32_0 = arith.constant 0 : i32
    %c0_i32_1 = arith.constant 0 : i32
    return %c0_i32, %c0_i32_0 : i32, i32
  }
  func.func @transform_2(%arg0: i32) -> (i32, i32, i32) {
    %c0_i32 = arith.constant 0 : i32
    %c0_i32_0 = arith.constant 0 : i32
    %c0_i32_1 = arith.constant 0 : i32
    return %arg0, %c0_i32, %c0_i32_0 : i32, i32, i32
  }
  func.func @transform_3(%arg0: i32) -> (i32, i32) {
    %c0_i32 = arith.constant 0 : i32
    %c0_i32_0 = arith.constant 0 : i32
    %c0_i32_1 = arith.constant 0 : i32
    return %c0_i32, %c0_i32_0 : i32, i32
  }
}

</mosaic_0001>

<sc_bundles>
// kernel: kernel.4.cloned.1.call-start
scs
__scs_entry_jumppad:
0x0: {  	(pc) =	sbr.rel $0x88, $3  }
0x1: {  	(tag) =	ssettag $0x0;
	lr =	simm.s32 $0x1  }
0x2: {  	[smem:$0x3F9F] =	sst lr;
	_ =	strace $0xD0000000  }
0x3: {  	_ = 	snop  }
0x4: {  	_ = 	snop  }
0x5: {  	_ = 	snop  }
0x6: {  	_ = 	snop  }
0x7: {  	_ = 	snop  }
__scs_overlays_trampoline_lowered:
0x8: {  	[smem:$0x3FAE] =	sst s0  }
0x9: {  	[smem:$0x3FAF] =	sst s1  }
0xa: {  	[smem:$0x3FB0] =	sst s2  }
0xb: {  	[smem:$0x3FB1] =	sst s3  }
0xc: {  	[smem:$0x3FB2] =	sst s4  }
0xd: {  	[smem:$0x3FB3] =	sst s5  }
0xe: {  	[smem:$0x3FB4] =	sst s6  }
0xf: {  	[smem:$0x3FB5] =	sst s7  }
0x10: {  	[smem:$0x3FB6] =	sst s8  }
0x11: {  	[smem:$0x3FB7] =	sst s9;
	s0 =	simm.s32 @!p0 $0x0  }
0x12: {  	s1 =	sld [smem:$0x3F9D];
	s0 =	simm.s32 @p0 $0x1  }
0x13: {  	[smem:$0x3FB8] =	sst s0;
	s0 =	simm.s32 @!p1 $0x0  }
0x14: {  	s2 =	sld [smem:$0x3F9C];
	s0 =	simm.s32 @p1 $0x1  }
0x15: {  	[smem:$0x3FB9] =	sst s0;
	s0 =	simm.s32 @!p2 $0x0  }
0x16: {  	s3 =	sld [smem:$0x3FDB];
	s0 =	simm.s32 @p2 $0x1  }
0x17: {  	s4 =	simm.s32 $0x1BF5;
	[smem:$0x3FBB] =	sst s0  }
0x18: {  	s0 =	sld [smem:$0x3F9E];
	_ =	swait.ge [sflag:s4], $0x0  }
0x19: {  	s7 =	sld [smem:$0x3F9F]  }
0x1a: {  	s8 =	sadd.s32 $0xFFFFE003, lr  }
0x1b: {  	s9 =	sadd.s32 $0xFFFFFEF7, lr;
	s5 =	simm.s32 $0xFFFFFFFF;
	p2 =	slt.u32 s8, $0xFFFFF086  }
0x1c: {  	p1 =	slt.u32 s9, $0xF7A;
	s5 =	simm.s32 @!p2 $0x0  }
0x1d: {  	s5 =	simm.s32 @p1 $0x1;
	p0 =	seq.s32 s7, s2  }
0x1e: {  	s7 =	smul.u32 @!p0 $0xF7A, s2;
	p2 =	seq.s32 @!p0 s5, $0x0  }
0x1f: {  	s9 =	smul.u32 $0xF7A, s1;
	s8 =	simm.s32 @!p0 $0x1BF5;
	p2 =	por !p2, p0  }
0x20: {  	[sflag:s8] =	ssyncset.s32 @!p0 $0xFFFFF086;
	s6 =	sadd.s32 @!p0 s3, s7;
	s7 =	simm.s32 @!p0 $0x108  }
0x21: {  	s3 =	sadd.s32 s3, s9;
	s6 =	sadd.s32 @!p0 $0x88, s6;
	s7 =	simm.s32 @p2 $0x1082  }
0x22: {  	[simem:s7], [sflag:s8] =	dma.local @!p0 [hbm:s6], $0xF7A  }
0x23: {  	s9 =	sor.u32 $0xD0000000, s2;
	s6 =	simm.s32 $0x108;
	_ =	swait.ge @!p0 [sflag:s8], $0x0  }
0x24: {  	s3 =	sadd.s32 $0x88, s3;
	s6 =	simm.s32 @!p1 $0x1082;
	[sflag:s4] =	ssyncset.s32 $0xFFFFF086  }
0x25: {  	[simem:s6], [sflag:s4] =	dma.local [hbm:s3], $0xF7A  }
0x26: {  	[smem:$0x3F9F] =	sst s1;
	(tag) =	ssettag s2;
	_ =	strace s9  }
0x27: {  	s1 =	sld [smem:$0x3FAF]  }
0x28: {  	s2 =	sld [smem:$0x3FB0]  }
0x29: {  	s4 =	sld [smem:$0x3FB2]  }
0x2a: {  	p0 =	seq.s32 s5, $0x0;
	s5 =	sld [smem:$0x3FB3]  }
0x2b: {  	s6 =	sld [smem:$0x3FB4]  }
0x2c: {  	s7 =	sld [smem:$0x3FB5]  }
0x2d: {  	s3 =	simm.s32 $0x108;
	s8 =	sld [smem:$0x3FB6]  }
0x2e: {  	s3 =	simm.s32 @!p0 $0x1082;
	s9 =	sld [smem:$0x3FB7]  }
0x2f: {  	lr =	sadd.s32 s0, s3;
	s0 =	sld [smem:$0x3FAE]  }
0x30: {  	s3 =	sld [smem:$0x3FB1]  }
0x31: {  	[smem:$0x3FBA] =	sst s10  }
0x32: {  	s10 =	sld [smem:$0x3FB8];
	_ =	sdelay $0x3  }
0x33: {  	p0 =	seq.s32 s10, $0x1;
	s10 =	sld [smem:$0x3FBA];
	_ =	sdelay $0x3  }
0x34: {  	[smem:$0x3FBA] =	sst s10  }
0x35: {  	s10 =	sld [smem:$0x3FB9];
	_ =	sdelay $0x3  }
0x36: {  	p1 =	seq.s32 s10, $0x1;
	s10 =	sld [smem:$0x3FBA];
	_ =	sdelay $0x3  }
0x37: {  	[smem:$0x3FBA] =	sst s10  }
0x38: {  	s10 =	sld [smem:$0x3FBB]  }
0x39: {  	_ = 	snop;
	(pc) =	sbr.ind lr, $3  }
0x3a: {  	_ = 	snop  }
0x3b: {  	_ = 	snop  }
0x3c: {  	p2 =	seq.s32 s10, $0x1;
	s10 =	sld [smem:$0x3FBA]  }
0x3d: {  	_ =	shalt  }
0x3e: {  	_ =	shalt  }
0x3f: {  	_ =	shalt  }
0x40: {  	_ =	shalt  }
0x41: {  	_ =	shalt  }
0x42: {  	_ =	shalt  }
0x43: {  	_ =	shalt  }
0x44: {  	_ =	shalt  }
0x45: {  	_ =	shalt  }
0x46: {  	_ =	shalt  }
0x47: {  	_ =	shalt  }
0x48: {  	_ =	shalt  }
0x49: {  	_ =	shalt  }
0x4a: {  	_ =	shalt  }
0x4b: {  	_ =	shalt  }
0x4c: {  	_ =	shalt  }
0x4d: {  	_ =	shalt  }
0x4e: {  	_ =	shalt  }
0x4f: {  	_ =	shalt  }
0x50: {  	_ =	shalt  }
0x51: {  	_ =	shalt  }
0x52: {  	_ =	shalt  }
0x53: {  	_ =	shalt  }
0x54: {  	_ =	shalt  }
0x55: {  	_ =	shalt  }
0x56: {  	_ =	shalt  }
0x57: {  	_ =	shalt  }
0x58: {  	_ =	shalt  }
0x59: {  	_ =	shalt  }
0x5a: {  	_ =	shalt  }
0x5b: {  	_ =	shalt  }
0x5c: {  	_ =	shalt  }
0x5d: {  	_ =	shalt  }
0x5e: {  	_ =	shalt  }
0x5f: {  	_ =	shalt  }
0x60: {  	_ =	shalt  }
0x61: {  	_ =	shalt  }
0x62: {  	_ =	shalt  }
0x63: {  	_ =	shalt  }
0x64: {  	_ =	shalt  }
0x65: {  	_ =	shalt  }
0x66: {  	_ =	shalt  }
0x67: {  	_ =	shalt  }
0x68: {  	_ =	shalt  }
0x69: {  	_ =	shalt  }
0x6a: {  	_ =	shalt  }
0x6b: {  	_ =	shalt  }
0x6c: {  	_ =	shalt  }
0x6d: {  	_ =	shalt  }
0x6e: {  	_ =	shalt  }
0x6f: {  	_ =	shalt  }
0x70: {  	_ =	shalt  }
0x71: {  	_ =	shalt  }
0x72: {  	_ =	shalt  }
0x73: {  	_ =	shalt  }
0x74: {  	_ =	shalt  }
0x75: {  	_ =	shalt  }
0x76: {  	_ =	shalt  }
0x77: {  	_ =	shalt  }
0x78: {  	_ =	shalt  }
0x79: {  	_ =	shalt  }
0x7a: {  	_ =	shalt  }
0x7b: {  	_ =	shalt  }
0x7c: {  	_ =	shalt  }
0x7d: {  	_ =	shalt  }
0x7e: {  	_ =	shalt  }
0x7f: {  	_ =	shalt  }
0x80: {  	_ =	shalt  }
0x81: {  	_ =	shalt  }
0x82: {  	_ =	shalt  }
0x83: {  	_ =	shalt  }
0x84: {  	_ =	shalt  }
0x85: {  	_ =	shalt  }
0x86: {  	_ =	shalt  }
0x87: {  	_ =	shalt  }
.Lfunc_end0:
.L_simem_size_0:
called_computation_lowered:
.L_overlay_start_0:
0x88: {  	s2 =	sld [smem:$0x3FD9]  }
0x89: {  	s3 =	sld [smem:$0x3FFE];
	_ =	sdelay $0x1  }
0x8a: {  	s1 =	srdreg.scid  }
0x8b: {  	s0 =	sand.u32 $0x1, s1  }
0x8c: {  	s14 =	sshll.u32 s0, $0xA;
	s2 =	sadd.s32 s3, s2  }
0x8d: {  	s2 =	sadd.s32 s2, s14  }
0x8e: {  	[smem:$0x3FC6] =	sst s2  }
0x8f: {  	_ = 	snop  }
0x90: {  	s2 =	sld [smem:$0x3FD0];
	_ =	sdelay $0x2  }
0x91: {  	s4 =	simm.s32 $0xA;
	s5 =	simm.s32 $0x10;
	s15 =	sld [smem:$0x3FC8]  }
0x92: {  	[smem:s5], [sflag:s4] =	dma.local [hbm:s2], $0x1  }
0x93: {  	_ =	swait.eq [sflag:s4], $0x1  }
0x94: {  	[sflag:s4] =	ssyncset.done $0x0  }
0x95: {  	[sflag:s4] =	ssyncadd.s32 $0xFFFFFFFF  }
0x96: {  	s16 =	sld [smem:$0x10];
	(tm) =	ssettm $0x1  }
0x97: {  	s17 =	sld [smem:$0x3FFB];
	_ =	sdelay $0x3  }
0x98: {  	_ =	strace s17  }
0x99: {  	s4 =	sld [smem:$0x3FFC];
	_ =	sdelay $0x3  }
0x9a: {  	_ =	strace s4  }
0x9b: {  	s4 =	sld [smem:$0x3FFD];
	_ =	sdelay $0x3  }
0x9c: {  	_ =	strace s4  }
0x9d: {  	_ =	strace $0x8FFFFFFF  }
0x9e: {  	s18 =	sld [smem:$0x3FDB];
	_ =	sdelay $0x1  }
0x9f: {  	s19 =	simm.s32 $_scs_section_size  }
0xa0: {  	s6 =	simm.s32 $_size__tile_overlayer_lowered;
	s7 =	simm.s32 $_tile_overlayer_lowered  }
0xa1: {  	s22 =	simm.s32 $0x1BFF;
	s21 =	sshll.u32 s7, $0x1;
	s4 =	sadd.s32 s19, s18  }
0xa2: {  	s8 =	simm.s32 $0x0;
	s20 =	sshll.u32 s6, $0x1;
	s6 =	sadd.s32 s21, s4  }
0xa3: {  	[timem:s8], [sflag:s22] =	dma.local [hbm:s6], s20  }
0xa4: {  	_ =	swait.ge [sflag:s22], s20  }
0xa5: {  	s5 =	ssub.s32 $0x0, s20;
	[sflag:s22] =	ssyncset.done $0x0  }
0xa6: {  	[sflag:s22] =	ssyncadd.s32 s5;
	_ =	sdelay $0x1  }
0xa7: {  	s23 =	simm.s32 $0x1B8B  }
0xa8: {  	_ =	swait.ge [sflag:s23], $0x1  }
0xa9: {  	[sflag:s23] =	ssyncset.done $0x0  }
0xaa: {  	s25 =	simm.s32 $0x1B8E;
	s24 =	sld [smem:$0x3FFE];
	[sflag:s23] =	ssyncadd.s32 $0xFFFFFFFF  }
0xab: {  	s26 =	simm.s32 $execute0_lowered;
	[smem:$0x3FD2] =	sst s25  }
0xac: {  	s6 =	sshll.u32 s26, $0x1;
	_ =	strace $0x80000046;
	[dreg:$0x1] =	wrdreg $0xFFFFFFFF  }
0xad: {  	s28 =	simm.s32 $_size_execute0_lowered;
	s4 =	sadd.s32 s4, s6;
	[dreg:$0x0] =	wrdreg $0x0  }
0xae: {  	s6 =	sshll.u32 s28, $0x1;
	[dreg:$0x2] =	wrdreg s4  }
0xaf: {  	[dreg:$0x3] =	wrdreg s6  }
0xb0: {  	[dreg:$0x4] =	wrdreg $0xC0  }
0xb1: {  	_ =	task [dreg:s8], $0x5FFFF  }
0xb2: {  	[dreg:$0x1] =	wrdreg $0xFFFFFFFF  }
0xb3: {  	[dreg:$0x0] =	wrdreg $0x60  }
0xb4: {  	[dreg:$0x2] =	wrdreg s15  }
0xb5: {  	[dreg:$0x3] =	wrdreg s16  }
0xb6: {  	[dreg:$0x4] =	wrdreg s24  }
0xb7: {  	[dreg:$0x5] =	wrdreg $0x9  }
0xb8: {  	_ =	task.clear_ibuf [dreg:s8], $0x6FFFF;
	_ =	strace $0x90000046  }
0xb9: {  	s29 =	simm.s32 $0x9;
	_ =	strace $0x80000048  }
0xba: {  	_ =	swait.ge [sflag:s29], $0x1  }
0xbb: {  	[sflag:s29] =	ssyncadd.s32 $0xFFFFFFFF  }
0xbc: {  	_ =	strace $0x90000048  }
0xbd: {  	_ =	sfence  }
0xbe: {  	s30 =	sld [smem:$0x0];
	_ =	sdelay $0x2  }
0xbf: {  	s31 =	sshll.u32 s1, $0xD;
	s1 =	sshrl.u32 s1, $0x2  }
0xc0: {  	s3 =	sand.u32 $0x4000, s31;
	s1 =	sadd.s32 s1, s30  }
0xc1: {  	s0 =	sor.u32 s3, s0;
	s1 =	sshll.u32 s1, $0x11  }
0xc2: {  	s0 =	sor.u32 s1, s0  }
0xc3: {  	s0 =	sadd.s32 $0x8F2B, s0  }
0xc4: {  	[sflag:s0] =	ssyncadd.remote.s32 $0x1  }
0xc5: {  	_ =	sfence.sel $0xFFFF  }
0xc6: {  	[dreg:$0x0] =	wrdreg $0xFFFFFFFF;
	(pc) =	sbr.abs _section_cstart, $3  }
0xc7: {  	[dreg:$0x1] =	wrdreg $0xFFFFFFFF  }
0xc8: {  	_ =	task.clear_ibuf [dreg:s8], $0x2FFFF;
	_ =	strace $0x9FFFFFFF  }
0xc9: {  	(tm) =	ssettm $0x7FFFFFFF  }
tec
execute0_lowered:
.L_overlay_start_1:
0x0: {  	(tag) =	ssettag $0x1  }
0x1: {  	s1 =	simm.s32 $0x0;
	s0 =	srdreg.scid  }
0x2: {  	s4 =	stileid.u32;
	[smem:$0x7FF] =	sst s1  }
0x3: {  	s0 =	sand.u32 $0x1, s0;
	s3 =	sshll.u32 s4, $0x9;
	s4 =	sshll.u32 s4, $0xC  }
0x4: {  	s2 =	ssub.s32 $0x2, s0;
	s0 =	sshll.u32 s0, $0x8;
	s3 =	sand.u32 $0x200, s3  }
0x5: {  	s4 =	sand.u32 $0xE000, s4;
	s5 =	sshrl.u32 s2, $0x1;
	s7 =	sor.u32 s0, s3  }
0x6: {  	s24 =	sor.u32 $0x10000, s4;
	s25 =	sor.u32 $0x20000, s4;
	s26 =	sor.u32 $0x30000, s4  }
0x7: {  	s3 =	sor.u32 $0x50000, s4;
	s6 =	sor.u32 $0x60000, s4;
	s8 =	sor.u32 $0x70000, s4  }
0x8: {  	s9 =	sor.u32 $0x80000, s4;
	s10 =	sor.u32 $0x90000, s4;
	s11 =	sor.u32 $0xA0000, s4  }
0x9: {  	s12 =	sor.u32 $0xB0000, s4;
	s0 =	sor.u32 $0xF0000, s4;
	s2 =	ssub.s32 s2, s5  }
0xa: {  	s5 =	sor.u32 $0x80, s7;
	s14 =	sor.u32 s7, s24;
	s16 =	sor.u32 s7, s25  }
0xb: {  	s18 =	sor.u32 s7, s26;
	s23 =	sor.u32 s7, s3;
	s29 =	sor.u32 s7, s8  }
0xc: {  	s31 =	sor.u32 s7, s9;
	s22 =	sor.u32 s7, s10;
	[dreg:$0x11] =	wrdreg s2  }
0xd: {  	s15 =	sor.u32 s24, s5;
	s17 =	sor.u32 s25, s5;
	s19 =	sor.u32 s26, s5  }
0xe: {  	s2 =	sor.u32 $0x40000, s4;
	s24 =	sor.u32 s3, s5;
	s26 =	sor.u32 s7, s6  }
0xf: {  	s28 =	sor.u32 s6, s5;
	s30 =	sor.u32 s8, s5;
	s6 =	sor.u32 s9, s5  }
0x10: {  	s13 =	sor.u32 s10, s5;
	s8 =	sor.u32 s7, s11;
	s25 =	sor.u32 s11, s5  }
0x11: {  	s9 =	sor.u32 s12, s5;
	s3 =	sor.u32 $0xC0000, s4;
	s11 =	sor.u32 $0xD0000, s4  }
0x12: {  	s18 =	sshrl.u32 s18, $0x3;
	s22 =	sshrl.u32 s22, $0x3;
	s20 =	sor.u32 s7, s2  }
0x13: {  	s21 =	sor.u32 s2, s5;
	s2 =	sor.u32 s7, s12;
	s10 =	sor.u32 s7, s3  }
0x14: {  	s12 =	sor.u32 s3, s5;
	s3 =	sor.u32 s11, s5;
	[dreg:$0x16] =	wrdreg s2  }
0x15: {  	s19 =	sshrl.u32 s19, $0x3;
	[dreg:$0x14] =	wrdreg s12;
	s2 =	sor.u32 s7, s11  }
0x16: {  	[dreg:$0x12] =	wrdreg s3;
	s12 =	sor.u32 $0xE0000, s4;
	s3 =	sor.u32 s4, s5  }
0x17: {  	[dreg:$0x15] =	wrdreg s2;
	s2 =	sor.u32 s4, s7;
	s4 =	sor.u32 s7, s0  }
0x18: {  	s11 =	sor.u32 s7, s12;
	s12 =	sor.u32 s12, s5;
	[dreg:$0x13] =	wrdreg s4  }
0x19: {  	s7 =	sor.u32 s0, s5;
	s4 =	rddreg [dreg:$0x0];
	s0 =	sshrl.u32 s2, $0x3  }
0x1a: {  	s5 =	rddreg [dreg:$0x2];
	s2 =	sshrl.u32 s3, $0x3;
	s3 =	sadd.s32 s4, s0  }
0x1b: {  	s5 =	sadd.s32 $0xC00, s5;
	s4 =	sadd.s32 s4, s2;
	[dreg:$0x4] =	wrdreg s3  }
0x1c: {  	s20 =	sshrl.u32 s20, $0x3;
	s0 =	sadd.s32 s5, s0;
	[dreg:$0x5] =	wrdreg s4  }
0x1d: {  	s2 =	sadd.s32 s5, s2;
	s22 =	sadd.s32 s5, s22;
	[dreg:$0x6] =	wrdreg s0  }
0x1e: {  	s4 =	sshrl.u32 s14, $0x3;
	[dreg:$0x7] =	wrdreg s2;
	s14 =	sshrl.u32 s15, $0x3  }
0x1f: {  	s15 =	sshrl.u32 s16, $0x3;
	s16 =	sshrl.u32 s17, $0x3;
	s3 =	sadd.s32 s5, s20  }
0x20: {  	s20 =	sshrl.u32 s31, $0x3;
	s2 =	rddreg [dreg:$0x16];
	s0 =	sadd.s32 s5, s4  }
0x21: {  	s17 =	sadd.s32 s5, s16;
	[dreg:$0xe] =	wrdreg s3;
	s4 =	sshrl.u32 s21, $0x3  }
0x22: {  	s16 =	sshrl.u32 s26, $0x3;
	s21 =	sshrl.u32 s6, $0x3;
	s6 =	rddreg [dreg:$0x14]  }
0x23: {  	s20 =	sadd.s32 s5, s20;
	s3 =	sshrl.u32 s9, $0x3;
	s9 =	rddreg [dreg:$0x12]  }
0x24: {  	s26 =	sshrl.u32 s25, $0x3;
	[dreg:$0x8] =	wrdreg s0;
	s0 =	sadd.s32 s5, s14  }
0x25: {  	[dreg:$0xb] =	wrdreg s17;
	s14 =	sshrl.u32 s23, $0x3;
	s16 =	sadd.s32 s5, s16  }
0x26: {  	s17 =	sshrl.u32 s28, $0x3;
	s21 =	sadd.s32 s5, s21;
	s23 =	sshrl.u32 s13, $0x3  }
0x27: {  	s25 =	sadd.s32 s5, s26;
	s28 =	sadd.s32 s5, s3;
	s13 =	sshrl.u32 s7, $0x3  }
0x28: {  	s7 =	simm.s32 $0x80;
	[dreg:$0x9] =	wrdreg s0;
	s0 =	sadd.s32 s5, s15  }
0x29: {  	s15 =	sshrl.u32 s24, $0x3;
	s24 =	sshrl.u32 s8, $0x3;
	s8 =	rddreg [dreg:$0x15]  }
0x2a: {  	s17 =	sadd.s32 s5, s17;
	s23 =	sadd.s32 s5, s23;
	[dreg:$0xa] =	wrdreg s0  }
0x2b: {  	s0 =	sadd.s32 s5, s18;
	s15 =	sadd.s32 s5, s15;
	s18 =	sshrl.u32 s29, $0x3  }
0x2c: {  	s24 =	sadd.s32 s5, s24;
	[dreg:$0xc] =	wrdreg s0;
	s0 =	sadd.s32 s5, s19  }
0x2d: {  	s18 =	sadd.s32 s5, s18;
	s19 =	sshrl.u32 s30, $0x3;
	[dreg:$0xd] =	wrdreg s0  }
0x2e: {  	s0 =	sadd.s32 s5, s4;
	s19 =	sadd.s32 s5, s19;
	s4 =	sshrl.u32 s10, $0x3  }
0x2f: {  	s10 =	sshrl.u32 s11, $0x3;
	s11 =	sshrl.u32 s12, $0x3;
	s12 =	rddreg [dreg:$0x13]  }
0x30: {  	[dreg:$0xf] =	wrdreg s0;
	s0 =	sadd.s32 s5, s14;
	s29 =	sadd.s32 s5, s4  }
0x31: {  	s3 =	sadd.s32 s5, s11;
	s4 =	sshrl.u32 s12, $0x3;
	s11 =	simm.s32 $0x0  }
0x32: {  	[dreg:$0x10] =	wrdreg s0;
	s0 =	sshrl.u32 s2, $0x3;
	s2 =	sshrl.u32 s8, $0x3  }
0x33: {  	s4 =	sadd.s32 s5, s4;
	s8 =	simm.s32 $0x400;
	s26 =	sadd.s32 s5, s0  }
0x34: {  	s0 =	sshrl.u32 s6, $0x3;
	s31 =	sadd.s32 s5, s2;
	s2 =	sadd.s32 s5, s10  }
0x35: {  	_ =	strace $0x80000047;
	s10 =	simm.s32 $0x1;
	s30 =	sadd.s32 s5, s0  }
0x36: {  	s0 =	sshrl.u32 s9, $0x3;
	s14 =	rddreg [dreg:$0x11];
	s9 =	simm.s32 $0x2  }
0x37: {  	s0 =	sadd.s32 s5, s0;
	s5 =	sadd.s32 s5, s13;
	s6 =	smax.u32 s14, $0x1  }
.LBB2_1:
0x38: {  	s12 =	rddreg [dreg:$0x4]  }
0x39: {  	[tilespmem:s1], [sflag:$0x2] =	stream.strided.gather [hbm4b:s12+s7], $0x400, s8, s7, $0x38;
	[tilespmem:$0xC800] =	vst v63  }
0x3a: {  	_ =	swait.ge [sflag:s9], $0x400  }
0x3b: {  	[sflag:s9] =	ssyncset.done $0x0  }
0x3c: {  	s13 =	rddreg [dreg:$0x5];
	[sflag:s9] =	ssyncadd.s32 $0xFFFFFC00  }
0x3d: {  	[tilespmem:s8], [sflag:$0x2] =	stream.strided.gather [hbm4b:s13+s7], $0x400, s8, s7, $0x38;
	[tilespmem:$0xC800] =	vst v63  }
0x3e: {  	_ =	swait.ge [sflag:s9], $0x400  }
0x3f: {  	[sflag:s9] =	ssyncset.done $0x0  }
0x40: {  	[sflag:s9] =	ssyncadd.s32 $0xFFFFFC00  }
0x41: {  	s13 =	simm.s32 $0x800;
	s14 =	rddreg [dreg:$0x1]  }
0x42: {  	[tilespmem:s13], [sflag:$0x2] =	stream.linear.gather [hbm4b:s14+s1], $0x4000, $0x38;
	[tilespmem:$0xC800] =	vst v63  }
0x43: {  	_ =	swait.ge [sflag:s9], $0x4000  }
0x44: {  	[sflag:s9] =	ssyncset.done $0x0  }
0x45: {  	s12 =	simm.s32 $0x0;
	[sflag:s9] =	ssyncadd.s32 $0xFFFFC000  }
0x46: {  	v0 =	vld [tilespmem:s12+$0x800];
	_ =	sdelay $0x7  }
0x47: {  	v1 =	vld.idx.msk [tilespmem:v0+s1+$0x0], $0xffff;
	_ =	sdelay $0x4  }
0x48: {  	[tilespmem:s12+$0x4800] =	vst v1;
	v1 =	vld [tilespmem:s12+$0x810];
	_ =	sdelay $0x1  }
0x49: {  	v0 =	vld.idx.msk [tilespmem:v0+s8+$0x0], $0xffff;
	_ =	sdelay $0x4  }
0x4a: {  	[tilespmem:s12+$0x8800] =	vst v0  }
0x4b: {  	v0 =	vld.idx.msk [tilespmem:v1+s1+$0x0], $0xffff;
	_ =	sdelay $0x4  }
0x4c: {  	[tilespmem:s12+$0x4810] =	vst v0;
	v0 =	vld [tilespmem:s12+$0x820];
	_ =	sdelay $0x1  }
0x4d: {  	v1 =	vld.idx.msk [tilespmem:v1+s8+$0x0], $0xffff;
	_ =	sdelay $0x4  }
0x4e: {  	[tilespmem:s12+$0x8810] =	vst v1  }
0x4f: {  	v1 =	vld.idx.msk [tilespmem:v0+s1+$0x0], $0xffff;
	_ =	sdelay $0x4  }
0x50: {  	[tilespmem:s12+$0x4820] =	vst v1;
	v1 =	vld [tilespmem:s12+$0x830];
	_ =	sdelay $0x1  }
0x51: {  	v0 =	vld.idx.msk [tilespmem:v0+s8+$0x0], $0xffff;
	_ =	sdelay $0x4  }
0x52: {  	[tilespmem:s12+$0x8820] =	vst v0  }
0x53: {  	v0 =	vld.idx.msk [tilespmem:v1+s1+$0x0], $0xffff;
	_ =	sdelay $0x4  }
0x54: {  	[tilespmem:s12+$0x4830] =	vst v0;
	v0 =	vld [tilespmem:s12+$0x840];
	_ =	sdelay $0x1  }
0x55: {  	v1 =	vld.idx.msk [tilespmem:v1+s8+$0x0], $0xffff;
	_ =	sdelay $0x4  }
0x56: {  	[tilespmem:s12+$0x8830] =	vst v1  }
0x57: {  	v1 =	vld.idx.msk [tilespmem:v0+s1+$0x0], $0xffff;
	_ =	sdelay $0x4  }
0x58: {  	[tilespmem:s12+$0x4840] =	vst v1;
	v1 =	vld [tilespmem:s12+$0x850];
	_ =	sdelay $0x1  }
0x59: {  	v0 =	vld.idx.msk [tilespmem:v0+s8+$0x0], $0xffff;
	_ =	sdelay $0x4  }
0x5a: {  	[tilespmem:s12+$0x8840] =	vst v0  }
0x5b: {  	v0 =	vld.idx.msk [tilespmem:v1+s1+$0x0], $0xffff;
	_ =	sdelay $0x3  }
0x5c: {  	v2 =	vld [tilespmem:s12+$0x860]  }
0x5d: {  	[tilespmem:s12+$0x4850] =	vst v0  }
0x5e: {  	v0 =	vld.idx.msk [tilespmem:v1+s8+$0x0], $0xffff;
	_ =	sdelay $0x4  }
0x5f: {  	[tilespmem:s12+$0x8850] =	vst v0  }
0x60: {  	v0 =	vld.idx.msk [tilespmem:v2+s1+$0x0], $0xffff;
	_ =	sdelay $0x4  }
0x61: {  	[tilespmem:s12+$0x4860] =	vst v0;
	v0 =	vld [tilespmem:s12+$0x870];
	_ =	sdelay $0x1  }
0x62: {  	v1 =	vld.idx.msk [tilespmem:v2+s8+$0x0], $0xffff;
	_ =	sdelay $0x4  }
0x63: {  	[tilespmem:s12+$0x8860] =	vst v1  }
0x64: {  	v1 =	vld.idx.msk [tilespmem:v0+s1+$0x0], $0xffff;
	_ =	sdelay $0x3  }
0x65: {  	s14 =	simm.s32 $0x80;
	s13 =	simm.s32 $0x400  }
.LBB2_2:
0x66: {  	p0 =	sne.s32 s13, $0xFE00;
	v2 =	vld [tilespmem:s14+$0x800];
	[tilespmem:s12+$0x4870] =	vst v1  }
0x67: {  	v0 =	vld.idx.msk [tilespmem:v0+s8+$0x0], $0xffff;
	_ =	sdelay $0x5  }
0x68: {  	[tilespmem:s12+$0x8870] =	vst v0;
	s12 =	smov.u32 s14  }
0x69: {  	v0 =	vld.idx.msk [tilespmem:v2+s1+$0x0], $0xffff;
	_ =	sdelay $0x5  }
0x6a: {  	[tilespmem:s12+$0x4800] =	vst v0;
	v0 =	vld [tilespmem:s12+$0x810]  }
0x6b: {  	v1 =	vld.idx.msk [tilespmem:v2+s8+$0x0], $0xffff;
	_ =	sdelay $0x5  }
0x6c: {  	[tilespmem:s12+$0x8800] =	vst v1  }
0x6d: {  	v1 =	vld.idx.msk [tilespmem:v0+s1+$0x0], $0xffff;
	_ =	sdelay $0x5  }
0x6e: {  	[tilespmem:s12+$0x4810] =	vst v1;
	v1 =	vld [tilespmem:s12+$0x820]  }
0x6f: {  	v0 =	vld.idx.msk [tilespmem:v0+s8+$0x0], $0xffff;
	_ =	sdelay $0x5  }
0x70: {  	[tilespmem:s12+$0x8810] =	vst v0  }
0x71: {  	v0 =	vld.idx.msk [tilespmem:v1+s1+$0x0], $0xffff;
	_ =	sdelay $0x5  }
0x72: {  	[tilespmem:s12+$0x4820] =	vst v0;
	v0 =	vld [tilespmem:s12+$0x830]  }
0x73: {  	v1 =	vld.idx.msk [tilespmem:v1+s8+$0x0], $0xffff;
	_ =	sdelay $0x5  }
0x74: {  	[tilespmem:s12+$0x8820] =	vst v1  }
0x75: {  	v1 =	vld.idx.msk [tilespmem:v0+s1+$0x0], $0xffff;
	_ =	sdelay $0x5  }
0x76: {  	[tilespmem:s12+$0x4830] =	vst v1;
	v1 =	vld [tilespmem:s12+$0x840]  }
0x77: {  	v0 =	vld.idx.msk [tilespmem:v0+s8+$0x0], $0xffff;
	_ =	sdelay $0x5  }
0x78: {  	[tilespmem:s12+$0x8830] =	vst v0  }
0x79: {  	v0 =	vld.idx.msk [tilespmem:v1+s1+$0x0], $0xffff;
	_ =	sdelay $0x5  }
0x7a: {  	[tilespmem:s12+$0x4840] =	vst v0;
	v0 =	vld [tilespmem:s12+$0x850]  }
0x7b: {  	v1 =	vld.idx.msk [tilespmem:v1+s8+$0x0], $0xffff;
	_ =	sdelay $0x5  }
0x7c: {  	[tilespmem:s12+$0x8840] =	vst v1  }
0x7d: {  	v1 =	vld.idx.msk [tilespmem:v0+s1+$0x0], $0xffff;
	_ =	sdelay $0x5  }
0x7e: {  	[tilespmem:s12+$0x4850] =	vst v1;
	v1 =	vld [tilespmem:s12+$0x860]  }
0x7f: {  	v0 =	vld.idx.msk [tilespmem:v0+s8+$0x0], $0xffff;
	_ =	sdelay $0x5  }
0x80: {  	[tilespmem:s12+$0x8850] =	vst v0  }
0x81: {  	v0 =	vld.idx.msk [tilespmem:v1+s1+$0x0], $0xffff;
	_ =	sdelay $0x5  }
0x82: {  	[tilespmem:s12+$0x4860] =	vst v0;
	v0 =	vld [tilespmem:s12+$0x870]  }
0x83: {  	v1 =	vld.idx.msk [tilespmem:v1+s8+$0x0], $0xffff;
	_ =	sdelay $0x5  }
0x84: {  	[tilespmem:s12+$0x8860] =	vst v1  }
0x85: {  	v1 =	vld.idx.msk [tilespmem:v0+s1+$0x0], $0xffff  }
.Ltmp0:
0x86: {  	(pc) =	sbr.rel @p0 .LBB2_2-.Ltmp0, $2  }
0x87: {  	_ =	sdelay $0x2  }
0x88: {  	s14 =	sshra.s32 s13, $0x2;
	s13 =	sadd.s32 $0x200, s13  }
0x89: {  	_ =	sdelay $0x1  }
0x8a: {  	v2 =	vld [tilespmem:s14+$0x800]  }
0x8b: {  	[tilespmem:s12+$0x4870] =	vst v1  }
0x8c: {  	v0 =	vld.idx.msk [tilespmem:v0+s8+$0x0], $0xffff;
	_ =	sdelay $0x4  }
0x8d: {  	[tilespmem:s12+$0x8870] =	vst v0  }
0x8e: {  	v0 =	vld.idx.msk [tilespmem:v2+s1+$0x0], $0xffff;
	_ =	sdelay $0x3  }
0x8f: {  	v57 =	vld [tilespmem:s14+$0x810]  }
0x90: {  	[tilespmem:s14+$0x4800] =	vst v0  }
0x91: {  	v1 =	vld.idx.msk [tilespmem:v2+s8+$0x0], $0xffff;
	_ =	sdelay $0x4  }
0x92: {  	[tilespmem:s14+$0x8800] =	vst v1  }
0x93: {  	v1 =	vld.idx.msk [tilespmem:v57+s1+$0x0], $0xffff;
	_ =	sdelay $0x3  }
0x94: {  	v58 =	vld [tilespmem:s14+$0x820]  }
0x95: {  	[tilespmem:s14+$0x4810] =	vst v1  }
0x96: {  	v0 =	vld.idx.msk [tilespmem:v57+s8+$0x0], $0xffff;
	_ =	sdelay $0x4  }
0x97: {  	[tilespmem:s14+$0x8810] =	vst v0  }
0x98: {  	v0 =	vld.idx.msk [tilespmem:v58+s1+$0x0], $0xffff;
	_ =	sdelay $0x3  }
0x99: {  	v59 =	vld [tilespmem:s14+$0x830]  }
0x9a: {  	[tilespmem:s14+$0x4820] =	vst v0  }
0x9b: {  	v1 =	vld.idx.msk [tilespmem:v58+s8+$0x0], $0xffff;
	_ =	sdelay $0x4  }
0x9c: {  	[tilespmem:s14+$0x8820] =	vst v1  }
0x9d: {  	v1 =	vld.idx.msk [tilespmem:v59+s1+$0x0], $0xffff;
	_ =	sdelay $0x3  }
0x9e: {  	v60 =	vld [tilespmem:s14+$0x840]  }
0x9f: {  	[tilespmem:s14+$0x4830] =	vst v1  }
0xa0: {  	v0 =	vld.idx.msk [tilespmem:v59+s8+$0x0], $0xffff;
	_ =	sdelay $0x4  }
0xa1: {  	[tilespmem:s14+$0x8830] =	vst v0  }
0xa2: {  	v0 =	vld.idx.msk [tilespmem:v60+s1+$0x0], $0xffff;
	_ =	sdelay $0x3  }
0xa3: {  	v61 =	vld [tilespmem:s14+$0x850]  }
0xa4: {  	[tilespmem:s14+$0x4840] =	vst v0  }
0xa5: {  	v1 =	vld.idx.msk [tilespmem:v60+s8+$0x0], $0xffff;
	_ =	sdelay $0x4  }
0xa6: {  	[tilespmem:s14+$0x8840] =	vst v1  }
0xa7: {  	v1 =	vld.idx.msk [tilespmem:v61+s1+$0x0], $0xffff;
	_ =	sdelay $0x3  }
0xa8: {  	v62 =	vld [tilespmem:s14+$0x860]  }
0xa9: {  	[tilespmem:s14+$0x4850] =	vst v1  }
0xaa: {  	v0 =	vld.idx.msk [tilespmem:v61+s8+$0x0], $0xffff;
	_ =	sdelay $0x4  }
0xab: {  	[tilespmem:s14+$0x8850] =	vst v0  }
0xac: {  	v0 =	vld.idx.msk [tilespmem:v62+s1+$0x0], $0xffff;
	_ =	sdelay $0x3  }
0xad: {  	v63 =	vld [tilespmem:s14+$0x870]  }
0xae: {  	[tilespmem:s14+$0x4860] =	vst v0  }
0xaf: {  	v1 =	vld.idx.msk [tilespmem:v62+s8+$0x0], $0xffff;
	_ =	sdelay $0x4  }
0xb0: {  	[tilespmem:s14+$0x8860] =	vst v1  }
0xb1: {  	v1 =	vld.idx.msk [tilespmem:v63+s1+$0x0], $0xffff;
	_ =	sdelay $0x4  }
0xb2: {  	[tilespmem:s14+$0x4870] =	vst v1  }
0xb3: {  	v0 =	vld.idx.msk [tilespmem:v63+s8+$0x0], $0xffff;
	_ =	sdelay $0x4  }
0xb4: {  	s13 =	simm.s32 $0x4800;
	[tilespmem:s14+$0x8870] =	vst v0;
	s14 =	rddreg [dreg:$0x6]  }
0xb5: {  	[hbm4b:s14+s7] =	stream.strided.scatter [tilespmem:s13], [sflag:$0x1], $0x400, s8, s7, $0x38;
	[tilespmem:$0xC800] =	vst v63  }
0xb6: {  	s13 =	rddreg [dreg:$0x7];
	s14 =	simm.s32 $0x8800  }
0xb7: {  	[hbm4b:s13+s7] =	stream.strided.scatter [tilespmem:s14], [sflag:$0x1], $0x400, s8, s7, $0x38;
	[tilespmem:$0xC800] =	vst v63  }
0xb8: {  	s13 =	rddreg [dreg:$0x8];
	s14 =	simm.s32 $0x4C00  }
0xb9: {  	[hbm4b:s13+s7] =	stream.strided.scatter [tilespmem:s14], [sflag:$0x1], $0x400, s8, s7, $0x38;
	[tilespmem:$0xC800] =	vst v63  }
0xba: {  	s13 =	rddreg [dreg:$0x9];
	s14 =	simm.s32 $0x8C00  }
0xbb: {  	[hbm4b:s13+s7] =	stream.strided.scatter [tilespmem:s14], [sflag:$0x1], $0x400, s8, s7, $0x38;
	[tilespmem:$0xC800] =	vst v63  }
0xbc: {  	s13 =	rddreg [dreg:$0xa];
	s14 =	simm.s32 $0x5000  }
0xbd: {  	[hbm4b:s13+s7] =	stream.strided.scatter [tilespmem:s14], [sflag:$0x1], $0x400, s8, s7, $0x38;
	[tilespmem:$0xC800] =	vst v63  }
0xbe: {  	s13 =	rddreg [dreg:$0xb];
	s14 =	simm.s32 $0x9000  }
0xbf: {  	[hbm4b:s13+s7] =	stream.strided.scatter [tilespmem:s14], [sflag:$0x1], $0x400, s8, s7, $0x38;
	[tilespmem:$0xC800] =	vst v63  }
0xc0: {  	s13 =	rddreg [dreg:$0xc];
	s14 =	simm.s32 $0x5400  }
0xc1: {  	[hbm4b:s13+s7] =	stream.strided.scatter [tilespmem:s14], [sflag:$0x1], $0x400, s8, s7, $0x38;
	[tilespmem:$0xC800] =	vst v63  }
0xc2: {  	s13 =	rddreg [dreg:$0xd];
	s14 =	simm.s32 $0x9400  }
0xc3: {  	[hbm4b:s13+s7] =	stream.strided.scatter [tilespmem:s14], [sflag:$0x1], $0x400, s8, s7, $0x38;
	[tilespmem:$0xC800] =	vst v63  }
0xc4: {  	s13 =	rddreg [dreg:$0xe];
	s14 =	simm.s32 $0x5800  }
0xc5: {  	[hbm4b:s13+s7] =	stream.strided.scatter [tilespmem:s14], [sflag:$0x1], $0x400, s8, s7, $0x38;
	[tilespmem:$0xC800] =	vst v63  }
0xc6: {  	s13 =	rddreg [dreg:$0xf];
	s14 =	simm.s32 $0x9800  }
0xc7: {  	[hbm4b:s13+s7] =	stream.strided.scatter [tilespmem:s14], [sflag:$0x1], $0x400, s8, s7, $0x38;
	[tilespmem:$0xC800] =	vst v63  }
0xc8: {  	s13 =	rddreg [dreg:$0x10];
	s14 =	simm.s32 $0x5C00  }
0xc9: {  	[hbm4b:s13+s7] =	stream.strided.scatter [tilespmem:s14], [sflag:$0x1], $0x400, s8, s7, $0x38;
	[tilespmem:$0xC800] =	vst v63  }
0xca: {  	s14 =	simm.s32 $0x9C00  }
0xcb: {  	[hbm4b:s15+s7] =	stream.strided.scatter [tilespmem:s14], [sflag:$0x1], $0x400, s8, s7, $0x38;
	[tilespmem:$0xC800] =	vst v63  }
0xcc: {  	s13 =	simm.s32 $0x6000  }
0xcd: {  	[hbm4b:s16+s7] =	stream.strided.scatter [tilespmem:s13], [sflag:$0x1], $0x400, s8, s7, $0x38;
	[tilespmem:$0xC800] =	vst v63  }
0xce: {  	s14 =	simm.s32 $0xA000  }
0xcf: {  	[hbm4b:s17+s7] =	stream.strided.scatter [tilespmem:s14], [sflag:$0x1], $0x400, s8, s7, $0x38;
	[tilespmem:$0xC800] =	vst v63  }
0xd0: {  	s13 =	simm.s32 $0x6400  }
0xd1: {  	[hbm4b:s18+s7] =	stream.strided.scatter [tilespmem:s13], [sflag:$0x1], $0x400, s8, s7, $0x38;
	[tilespmem:$0xC800] =	vst v63  }
0xd2: {  	s14 =	simm.s32 $0xA400  }
0xd3: {  	[hbm4b:s19+s7] =	stream.strided.scatter [tilespmem:s14], [sflag:$0x1], $0x400, s8, s7, $0x38;
	[tilespmem:$0xC800] =	vst v63  }
0xd4: {  	s13 =	simm.s32 $0x6800  }
0xd5: {  	[hbm4b:s20+s7] =	stream.strided.scatter [tilespmem:s13], [sflag:$0x1], $0x400, s8, s7, $0x38;
	[tilespmem:$0xC800] =	vst v63  }
0xd6: {  	s14 =	simm.s32 $0xA800  }
0xd7: {  	[hbm4b:s21+s7] =	stream.strided.scatter [tilespmem:s14], [sflag:$0x1], $0x400, s8, s7, $0x38;
	[tilespmem:$0xC800] =	vst v63  }
0xd8: {  	s13 =	simm.s32 $0x6C00  }
0xd9: {  	[hbm4b:s22+s7] =	stream.strided.scatter [tilespmem:s13], [sflag:$0x1], $0x400, s8, s7, $0x38;
	[tilespmem:$0xC800] =	vst v63  }
0xda: {  	s14 =	simm.s32 $0xAC00  }
0xdb: {  	[hbm4b:s23+s7] =	stream.strided.scatter [tilespmem:s14], [sflag:$0x1], $0x400, s8, s7, $0x38;
	[tilespmem:$0xC800] =	vst v63  }
0xdc: {  	s13 =	simm.s32 $0x7000  }
0xdd: {  	[hbm4b:s24+s7] =	stream.strided.scatter [tilespmem:s13], [sflag:$0x1], $0x400, s8, s7, $0x38;
	[tilespmem:$0xC800] =	vst v63  }
0xde: {  	s14 =	simm.s32 $0xB000  }
0xdf: {  	[hbm4b:s25+s7] =	stream.strided.scatter [tilespmem:s14], [sflag:$0x1], $0x400, s8, s7, $0x38;
	[tilespmem:$0xC800] =	vst v63  }
0xe0: {  	s13 =	simm.s32 $0x7400  }
0xe1: {  	[hbm4b:s26+s7] =	stream.strided.scatter [tilespmem:s13], [sflag:$0x1], $0x400, s8, s7, $0x38;
	[tilespmem:$0xC800] =	vst v63  }
0xe2: {  	s14 =	simm.s32 $0xB400  }
0xe3: {  	[hbm4b:s28+s7] =	stream.strided.scatter [tilespmem:s14], [sflag:$0x1], $0x400, s8, s7, $0x38;
	[tilespmem:$0xC800] =	vst v63  }
0xe4: {  	s13 =	simm.s32 $0x7800  }
0xe5: {  	[hbm4b:s29+s7] =	stream.strided.scatter [tilespmem:s13], [sflag:$0x1], $0x400, s8, s7, $0x38;
	[tilespmem:$0xC800] =	vst v63  }
0xe6: {  	s14 =	simm.s32 $0xB800  }
0xe7: {  	[hbm4b:s30+s7] =	stream.strided.scatter [tilespmem:s14], [sflag:$0x1], $0x400, s8, s7, $0x38;
	[tilespmem:$0xC800] =	vst v63  }
0xe8: {  	s13 =	simm.s32 $0x7C00  }
0xe9: {  	[hbm4b:s31+s7] =	stream.strided.scatter [tilespmem:s13], [sflag:$0x1], $0x400, s8, s7, $0x38;
	[tilespmem:$0xC800] =	vst v63  }
0xea: {  	s14 =	simm.s32 $0xBC00  }
0xeb: {  	[hbm4b:s0+s7] =	stream.strided.scatter [tilespmem:s14], [sflag:$0x1], $0x400, s8, s7, $0x38;
	[tilespmem:$0xC800] =	vst v63  }
0xec: {  	s13 =	simm.s32 $0x8000  }
0xed: {  	[hbm4b:s2+s7] =	stream.strided.scatter [tilespmem:s13], [sflag:$0x1], $0x400, s8, s7, $0x38;
	[tilespmem:$0xC800] =	vst v63  }
0xee: {  	s14 =	simm.s32 $0xC000  }
0xef: {  	[hbm4b:s3+s7] =	stream.strided.scatter [tilespmem:s14], [sflag:$0x1], $0x400, s8, s7, $0x38;
	[tilespmem:$0xC800] =	vst v63  }
0xf0: {  	s13 =	simm.s32 $0x8400  }
0xf1: {  	[hbm4b:s4+s7] =	stream.strided.scatter [tilespmem:s13], [sflag:$0x1], $0x400, s8, s7, $0x38;
	[tilespmem:$0xC800] =	vst v63  }
0xf2: {  	s14 =	simm.s32 $0xC400  }
0xf3: {  	[hbm4b:s5+s7] =	stream.strided.scatter [tilespmem:s14], [sflag:$0x1], $0x400, s8, s7, $0x38;
	[tilespmem:$0xC800] =	vst v63  }
0xf4: {  	_ =	swait.ge [sflag:s10], $0x400  }
0xf5: {  	[sflag:s10] =	ssyncset.done $0x0  }
0xf6: {  	[sflag:s10] =	ssyncadd.s32 $0xFFFFFC00  }
0xf7: {  	_ =	swait.ge [sflag:s10], $0x400  }
0xf8: {  	[sflag:s10] =	ssyncset.done $0x0  }
0xf9: {  	[sflag:s10] =	ssyncadd.s32 $0xFFFFFC00  }
0xfa: {  	_ =	swait.ge [sflag:s10], $0x400  }
0xfb: {  	[sflag:s10] =	ssyncset.done $0x0  }
0xfc: {  	[sflag:s10] =	ssyncadd.s32 $0xFFFFFC00  }
0xfd: {  	_ =	swait.ge [sflag:s10], $0x400  }
0xfe: {  	[sflag:s10] =	ssyncset.done $0x0  }
0xff: {  	[sflag:s10] =	ssyncadd.s32 $0xFFFFFC00  }
0x100: {  	_ =	swait.ge [sflag:s10], $0x400  }
0x101: {  	[sflag:s10] =	ssyncset.done $0x0  }
0x102: {  	[sflag:s10] =	ssyncadd.s32 $0xFFFFFC00  }
0x103: {  	_ =	swait.ge [sflag:s10], $0x400  }
0x104: {  	[sflag:s10] =	ssyncset.done $0x0  }
0x105: {  	[sflag:s10] =	ssyncadd.s32 $0xFFFFFC00  }
0x106: {  	_ =	swait.ge [sflag:s10], $0x400  }
0x107: {  	[sflag:s10] =	ssyncset.done $0x0  }
0x108: {  	[sflag:s10] =	ssyncadd.s32 $0xFFFFFC00  }
0x109: {  	_ =	swait.ge [sflag:s10], $0x400  }
0x10a: {  	[sflag:s10] =	ssyncset.done $0x0  }
0x10b: {  	[sflag:s10] =	ssyncadd.s32 $0xFFFFFC00  }
0x10c: {  	_ =	swait.ge [sflag:s10], $0x400  }
0x10d: {  	[sflag:s10] =	ssyncset.done $0x0  }
0x10e: {  	[sflag:s10] =	ssyncadd.s32 $0xFFFFFC00  }
0x10f: {  	_ =	swait.ge [sflag:s10], $0x400  }
0x110: {  	[sflag:s10] =	ssyncset.done $0x0  }
0x111: {  	[sflag:s10] =	ssyncadd.s32 $0xFFFFFC00  }
0x112: {  	_ =	swait.ge [sflag:s10], $0x400  }
0x113: {  	[sflag:s10] =	ssyncset.done $0x0  }
0x114: {  	[sflag:s10] =	ssyncadd.s32 $0xFFFFFC00  }
0x115: {  	_ =	swait.ge [sflag:s10], $0x400  }
0x116: {  	[sflag:s10] =	ssyncset.done $0x0  }
0x117: {  	[sflag:s10] =	ssyncadd.s32 $0xFFFFFC00  }
0x118: {  	_ =	swait.ge [sflag:s10], $0x400  }
0x119: {  	[sflag:s10] =	ssyncset.done $0x0  }
0x11a: {  	[sflag:s10] =	ssyncadd.s32 $0xFFFFFC00  }
0x11b: {  	_ =	swait.ge [sflag:s10], $0x400  }
0x11c: {  	[sflag:s10] =	ssyncset.done $0x0  }
0x11d: {  	[sflag:s10] =	ssyncadd.s32 $0xFFFFFC00  }
0x11e: {  	_ =	swait.ge [sflag:s10], $0x400  }
0x11f: {  	[sflag:s10] =	ssyncset.done $0x0  }
0x120: {  	[sflag:s10] =	ssyncadd.s32 $0xFFFFFC00  }
0x121: {  	_ =	swait.ge [sflag:s10], $0x400  }
0x122: {  	[sflag:s10] =	ssyncset.done $0x0  }
0x123: {  	[sflag:s10] =	ssyncadd.s32 $0xFFFFFC00  }
0x124: {  	_ =	swait.ge [sflag:s10], $0x400  }
0x125: {  	[sflag:s10] =	ssyncset.done $0x0  }
0x126: {  	[sflag:s10] =	ssyncadd.s32 $0xFFFFFC00  }
0x127: {  	_ =	swait.ge [sflag:s10], $0x400  }
0x128: {  	[sflag:s10] =	ssyncset.done $0x0  }
0x129: {  	[sflag:s10] =	ssyncadd.s32 $0xFFFFFC00  }
0x12a: {  	_ =	swait.ge [sflag:s10], $0x400  }
0x12b: {  	[sflag:s10] =	ssyncset.done $0x0  }
0x12c: {  	[sflag:s10] =	ssyncadd.s32 $0xFFFFFC00  }
0x12d: {  	_ =	swait.ge [sflag:s10], $0x400  }
0x12e: {  	[sflag:s10] =	ssyncset.done $0x0  }
0x12f: {  	[sflag:s10] =	ssyncadd.s32 $0xFFFFFC00  }
0x130: {  	_ =	swait.ge [sflag:s10], $0x400  }
0x131: {  	[sflag:s10] =	ssyncset.done $0x0  }
0x132: {  	[sflag:s10] =	ssyncadd.s32 $0xFFFFFC00  }
0x133: {  	_ =	swait.ge [sflag:s10], $0x400  }
0x134: {  	[sflag:s10] =	ssyncset.done $0x0  }
0x135: {  	[sflag:s10] =	ssyncadd.s32 $0xFFFFFC00  }
0x136: {  	_ =	swait.ge [sflag:s10], $0x400  }
0x137: {  	[sflag:s10] =	ssyncset.done $0x0  }
0x138: {  	[sflag:s10] =	ssyncadd.s32 $0xFFFFFC00  }
0x139: {  	_ =	swait.ge [sflag:s10], $0x400  }
0x13a: {  	[sflag:s10] =	ssyncset.done $0x0  }
0x13b: {  	[sflag:s10] =	ssyncadd.s32 $0xFFFFFC00  }
0x13c: {  	_ =	swait.ge [sflag:s10], $0x400  }
0x13d: {  	[sflag:s10] =	ssyncset.done $0x0  }
0x13e: {  	[sflag:s10] =	ssyncadd.s32 $0xFFFFFC00  }
0x13f: {  	_ =	swait.ge [sflag:s10], $0x400  }
0x140: {  	[sflag:s10] =	ssyncset.done $0x0  }
0x141: {  	[sflag:s10] =	ssyncadd.s32 $0xFFFFFC00  }
0x142: {  	_ =	swait.ge [sflag:s10], $0x400  }
0x143: {  	[sflag:s10] =	ssyncset.done $0x0  }
0x144: {  	[sflag:s10] =	ssyncadd.s32 $0xFFFFFC00  }
0x145: {  	_ =	swait.ge [sflag:s10], $0x400  }
0x146: {  	[sflag:s10] =	ssyncset.done $0x0  }
0x147: {  	[sflag:s10] =	ssyncadd.s32 $0xFFFFFC00  }
0x148: {  	_ =	swait.ge [sflag:s10], $0x400  }
0x149: {  	[sflag:s10] =	ssyncset.done $0x0  }
0x14a: {  	[sflag:s10] =	ssyncadd.s32 $0xFFFFFC00  }
0x14b: {  	_ =	swait.ge [sflag:s10], $0x400  }
0x14c: {  	[sflag:s10] =	ssyncset.done $0x0  }
0x14d: {  	s11 =	sadd.s32 $0x1, s11;
	[sflag:s10] =	ssyncadd.s32 $0xFFFFFC00  }
0x14e: {  	p0 =	sne.s32 s11, s6;
	_ =	swait.ge [sflag:s10], $0x400  }
.Ltmp1:
0x14f: {  	[sflag:s10] =	ssyncset.done $0x0;
	(pc) =	sbr.rel @p0 .LBB2_1-.Ltmp1, $4  }
0x150: {  	[sflag:s10] =	ssyncadd.s32 $0xFFFFFC00  }
0x151: {  	_ =	swait.ge [sflag:s10], $0x400  }
0x152: {  	[sflag:s10] =	ssyncset.done $0x0  }
0x153: {  	[sflag:s10] =	ssyncadd.s32 $0xFFFFFC00  }
0x154: {  	_ =	sfence.sel $0x180000  }
0x155: {  	[bflag:$0x0] =	sbarrier.arrive $0xFFFF  }
0x156: {  	_ =	strace $0x90000047  }
0x157: {  	s0 =	stileid.u32;
	[bflag:$0x2] =	sbarrier.arrive $0xFFFF  }
0x158: {  	p0 =	sne.s32 s0, $0x0;
	s0 =	rddreg [dreg:$0x3]  }
0x159: {  	s0 =	sadd.s32 @!p0 $0x100000, s0  }
0x15a: {  	[sflag:s0] =	ssyncadd.tile.s32 @!p0 $0x1;
	_ =	shalt  }
.Lfunc_end2:
_tile_overlayer_lowered:
.L_overlay_start_2:
0x15b: {  	(tag) =	ssettag $0x2  }
0x15c: {  	s0 =	rddreg [dreg:$0x0];
	s2 =	stileid.u32  }
0x15d: {  	s1 =	rddreg [dreg:$0x1];
	p0 =	sne.s32 s2, $0x0  }
0x15e: {  	s3 =	rddreg [dreg:$0x2];
	[bflag:$0x3] =	sbarrier.arrive $0xFFFF;
	s2 =	simm.s32 @!p0 $0x1C02  }
0x15f: {  	[timem:s3], [sflag:s2] =	dma.local @!p0 [hbm:s0], s1  }
0x160: {  	s0 =	simm.s32 @!p0 $0x2  }
0x161: {  	_ =	swait.ge @!p0 [sflag:s0], s1  }
0x162: {  	s1 =	ssub.s32 @!p0 $0x0, s1;
	[sflag:s0] =	ssyncset.done @!p0 $0x0  }
0x163: {  	[sflag:s0] =	ssyncadd.s32 @!p0 s1  }
0x164: {  	[bflag:$0x3] =	sbarrier.arrive $0xFFFF  }
0x165: {  	_ =	shalt  }

</sc_bundles>
